<compile_context>
chip_gen: v7x
topology: tpu7x:2x2x1
jax: 0.10.2.dev20260603
libtpu: 0.0.44.dev20260713+nightly
codegen_flags: <defaults>
</compile_context>

<pallas_src>
import functools

import jax
import jax.numpy as jnp
from jax import lax
from jax.experimental import pallas as pl
from jax.experimental.pallas import tpu as pltpu
from jax.experimental.pallas import tpu_sc as plsc

_VOCAB = 100000
_MAXLEN = 200
_EMBED = 64
_EPAD = 128
_BATCH = 4096
_N = _BATCH * _MAXLEN
_NC, _NS = 2, 16
_NW = _NC * _NS
_TPW = _N // _NW
_G = 128
_C = 128
_GPC = _C // _G
_NCH = _TPW // _C


def _sc_body(xf, psf, tok_hbm, ps_hbm, out_hbm,
             ix0, ix1, ip0, ip1, buf, buf_b,
             isem0, isem1, gsem0, gsem1, osem0, osem1):
    wid = lax.axis_index("s") * _NC + lax.axis_index("c")
    idx_x = (ix0, ix1)
    idx_p = (ip0, ip1)
    isem = (isem0, isem1)
    gsem = (gsem0, gsem1)
    osem = (osem0, osem1)

    def do_idx(c, p):
        base = wid * _TPW + c * _C
        pltpu.async_copy(xf.at[pl.ds(base, _C)], idx_x[p], isem[p])
        pltpu.async_copy(psf.at[pl.ds(base, _C)], idx_p[p], isem[p])

    def wait_idx(p):
        pltpu.make_async_copy(xf.at[pl.ds(0, _C)], idx_x[p], isem[p]).wait()
        pltpu.make_async_copy(psf.at[pl.ds(0, _C)], idx_p[p], isem[p]).wait()

    def do_gather(p):
        for g in range(_GPC):
            rows = pl.ds(g * _G, _G)
            pltpu.async_copy(tok_hbm.at[idx_x[p].at[rows]],
                             buf.at[p, rows], gsem[p])
            pltpu.async_copy(ps_hbm.at[idx_p[p].at[rows]],
                             buf_b.at[p, rows], gsem[p])

    def wait_gather(p):
        for g in range(_GPC):
            rows = pl.ds(g * _G, _G)
            pltpu.make_async_copy(tok_hbm.at[pl.ds(0, _G)],
                                  buf.at[p, rows], gsem[p]).wait()
            pltpu.make_async_copy(ps_hbm.at[pl.ds(0, _G)],
                                  buf_b.at[p, rows], gsem[p]).wait()

    def do_scatter(c, p):
        base = wid * _TPW + c * _C
        pltpu.async_copy(buf.at[p], out_hbm.at[pl.ds(base, _C)], osem[p])

    def wait_scatter(p):
        pltpu.make_async_copy(buf.at[p], out_hbm.at[pl.ds(0, _C)],
                              osem[p]).wait()

    do_idx(0, 0)
    wait_idx(0)
    do_gather(0)
    do_idx(1, 1)

    def half(c, p):
        q = 1 - p

        @pl.when(c + 1 < _NCH)
        def _():
            wait_idx(q)

            @pl.when(c >= 1)
            def _():
                wait_scatter(q)

            do_gather(q)

        wait_gather(p)

        @pl.when(c + 2 < _NCH)
        def _():
            do_idx(c + 2, p)

        def add_tok(t, carry2):
            for j in range(_EMBED // 16):
                col = pl.ds(j * 16, 16)
                plsc.addupdate(buf.at[p, t, col], buf_b[p, t, col])
            return carry2

        lax.fori_loop(0, _C, add_tok, 0, unroll=4)
        do_scatter(c, p)

    def pair(c2, carry):
        half(2 * c2, 0)
        half(2 * c2 + 1, 1)
        return carry

    lax.fori_loop(0, _NCH // 2, pair, 0)
    wait_scatter(0)
    wait_scatter(1)


@functools.partial(jax.jit, static_argnames=())
def _launch(xf, psf, tok128, ps128):
    mesh = plsc.VectorSubcoreMesh(core_axis_name="c", subcore_axis_name="s")
    return pl.kernel(
        _sc_body,
        out_type=jax.ShapeDtypeStruct((_N, _EPAD), jnp.float32),
        mesh=mesh,
        scratch_types=[
            pltpu.VMEM((_C,), jnp.int32),
            pltpu.VMEM((_C,), jnp.int32),
            pltpu.VMEM((_C,), jnp.int32),
            pltpu.VMEM((_C,), jnp.int32),
            pltpu.VMEM((2, _C, _EPAD), jnp.float32),
            pltpu.VMEM((2, _C, _EPAD), jnp.float32),
            pltpu.SemaphoreType.DMA,
            pltpu.SemaphoreType.DMA,
            pltpu.SemaphoreType.DMA,
            pltpu.SemaphoreType.DMA,
            pltpu.SemaphoreType.DMA,
            pltpu.SemaphoreType.DMA,
        ],
        compiler_params=pltpu.CompilerParams(use_tc_tiling_on_sc=True),
    )(xf, psf, tok128, ps128)


def kernel(x, segment_ids, token_table, pos_table, seg_table):
    xf = x.astype(jnp.int32).reshape(_N)
    positions = jnp.arange(_MAXLEN, dtype=jnp.int32)
    psf = (segment_ids.astype(jnp.int32) * _MAXLEN
           + positions[None, :]).reshape(_N)
    tok128 = jnp.pad(token_table, ((0, 0), (0, _EPAD - _EMBED)))
    ps128 = jnp.pad(
        (seg_table[:, None, :] + pos_table[None, :, :]).reshape(
            2 * _MAXLEN, _EMBED), ((0, 0), (0, _EPAD - _EMBED)))
    out = _launch(xf, psf, tok128, ps128)
    return out.reshape(_BATCH, _MAXLEN, _EPAD)[:, :, :_EMBED]

# --- scband reference (transcript-rebuilt; emitter-appended) ---
"""Pipeline reference for scband-bert-style-embedding-15436112462075 (READ-ONLY COPY).

The authoritative reference and input builder live on the scoring server;
editing this copy changes nothing except your own understanding.
"""

import jax, jax.numpy as jnp
import numpy as np

VOCAB = 100000
MAXLEN = 200
EMBED = 64
BATCH = 4096

def setup_inputs(seed: int = 0) -> dict:
    key = jax.random.key(seed)
    k1, k2, k3, k4, k5 = jax.random.split(key, 5)
    x = jax.random.randint(k1, (BATCH, MAXLEN), 0, VOCAB, dtype=jnp.int64 if jax.config.jax_enable_x64 else jnp.int32)
    segment_ids = jax.random.randint(k2, (BATCH, MAXLEN), 0, 2, dtype=jnp.int64 if jax.config.jax_enable_x64 else jnp.int32)
    token_table = jax.random.normal(k3, (VOCAB, EMBED), dtype=jnp.float32) * 0.02
    pos_table = jax.random.normal(k4, (MAXLEN, EMBED), dtype=jnp.float32) * 0.02
    seg_table = jax.random.normal(k5, (2, EMBED), dtype=jnp.float32) * 0.02
    return {"x": x, "segment_ids": segment_ids, "token_table": token_table, "pos_table": pos_table, "seg_table": seg_table}

def reference(x, segment_ids, token_table, pos_table, seg_table):
    # positions = range(maxlen); embed and broadcast over batch
    L = x.shape[-1]
    positions = jnp.arange(L)
    pos_emb = jnp.take(pos_table, positions, axis=0)          # [L, E]
    tok_emb = jnp.take(token_table, x, axis=0)                # [B, L, E]
    seg_emb = jnp.take(seg_table, segment_ids, axis=0)        # [B, L, E]
    return tok_emb + pos_emb[None, :, :] + seg_emb

if __name__ == "__main__":
    import jax
    _d = setup_inputs()
    print(jax.jit(kernel)(*tuple(_d.values())))

</pallas_src>

<mosaic_0001>
#map = affine_map<(d0, d1) -> (0)>
#map1 = affine_map<(d0, d1) -> (0, 0)>
module attributes {stable_mosaic.version = 14 : i64} {
  func.func @_sc_body(%arg0: i32, %arg1: i32, %arg2: memref<819200xi32, #tpu.memory_space<hbm>>, %arg3: memref<819200xi32, #tpu.memory_space<hbm>>, %arg4: memref<100000x128xf32, #tpu.memory_space<hbm>>, %arg5: memref<400x128xf32, #tpu.memory_space<hbm>>, %arg6: memref<819200x128xf32, #tpu.memory_space<hbm>>, %arg7: memref<128xi32, #tpu.memory_space<vmem>>, %arg8: memref<128xi32, #tpu.memory_space<vmem>>, %arg9: memref<128xi32, #tpu.memory_space<vmem>>, %arg10: memref<128xi32, #tpu.memory_space<vmem>>, %arg11: memref<2x128x128xf32, #tpu.memory_space<vmem>>, %arg12: memref<2x128x128xf32, #tpu.memory_space<vmem>>, %arg13: memref<!tpu.dma_semaphore, #tpu.memory_space<semaphore_mem>>, %arg14: memref<!tpu.dma_semaphore, #tpu.memory_space<semaphore_mem>>, %arg15: memref<!tpu.dma_semaphore, #tpu.memory_space<semaphore_mem>>, %arg16: memref<!tpu.dma_semaphore, #tpu.memory_space<semaphore_mem>>, %arg17: memref<!tpu.dma_semaphore, #tpu.memory_space<semaphore_mem>>, %arg18: memref<!tpu.dma_semaphore, #tpu.memory_space<semaphore_mem>>) attributes {dimension_semantics = [#tpu.dimension_semantics<core_parallel>, #tpu.dimension_semantics<subcore_parallel>], iteration_bounds = array<i64: 2, 16>, scalar_prefetch = 0 : i64, scratch_operands = 12 : i64, tpu.core_type = #tpu.core_type<sc_vector_subcore>, window_params = [{transform_indices = #map}, {transform_indices = #map}, {transform_indices = #map1}, {transform_indices = #map1}, {transform_indices = #map1}]} {
    %mul3A = arith.constant 2 : i32
    %mul3A_0 = arith.muli %arg1, %mul3A : i32
    %add3A = arith.addi %mul3A_0, %arg0 : i32
    %mul3A_1 = arith.constant 25600 : i32
    %mul3A_2 = arith.muli %add3A, %mul3A_1 : i32
    %add3A_3 = arith.constant 0 : i32
    %add3A_4 = arith.addi %mul3A_2, %add3A_3 : i32
    %dma_start3A = tpu.memref_slice %arg2[%add3A_4] : memref<819200xi32, #tpu.memory_space<hbm>> -> memref<128xi32, #tpu.memory_space<hbm>>
    %dma_start3A_5 = tpu.memref_slice %arg2[%add3A_4] : memref<819200xi32, #tpu.memory_space<hbm>> -> memref<128xi32, #tpu.memory_space<hbm>>
    tpu.enqueue_dma source(%dma_start3A_5 : memref<128xi32, #tpu.memory_space<hbm>>) target(%arg7 : memref<128xi32, #tpu.memory_space<vmem>>) target_semaphore(%arg13 : memref<!tpu.dma_semaphore, #tpu.memory_space<semaphore_mem>>)
    %dma_start3A_6 = tpu.memref_slice %arg3[%add3A_4] : memref<819200xi32, #tpu.memory_space<hbm>> -> memref<128xi32, #tpu.memory_space<hbm>>
    %dma_start3A_7 = tpu.memref_slice %arg3[%add3A_4] : memref<819200xi32, #tpu.memory_space<hbm>> -> memref<128xi32, #tpu.memory_space<hbm>>
    tpu.enqueue_dma source(%dma_start3A_7 : memref<128xi32, #tpu.memory_space<hbm>>) target(%arg9 : memref<128xi32, #tpu.memory_space<vmem>>) target_semaphore(%arg13 : memref<!tpu.dma_semaphore, #tpu.memory_space<semaphore_mem>>)
    %dma_wait3A = arith.constant 0 : i32
    %dma_wait3A_8 = tpu.memref_slice %arg2[%dma_wait3A] : memref<819200xi32, #tpu.memory_space<hbm>> -> memref<128xi32, #tpu.memory_space<hbm>>
    %dma_wait3A_9 = arith.constant 0 : i32
    %dma_wait3A_10 = tpu.memref_slice %arg2[%dma_wait3A_9] : memref<819200xi32, #tpu.memory_space<hbm>> -> memref<128xi32, #tpu.memory_space<hbm>>
    tpu.wait_dma2 semaphore(%arg13 : memref<!tpu.dma_semaphore, #tpu.memory_space<semaphore_mem>>) src(%dma_wait3A_10 : memref<128xi32, #tpu.memory_space<hbm>>) dst(%arg7 : memref<128xi32, #tpu.memory_space<vmem>>)
    %dma_wait3A_11 = arith.constant 0 : i32
    %dma_wait3A_12 = tpu.memref_slice %arg3[%dma_wait3A_11] : memref<819200xi32, #tpu.memory_space<hbm>> -> memref<128xi32, #tpu.memory_space<hbm>>
    %dma_wait3A_13 = arith.constant 0 : i32
    %dma_wait3A_14 = tpu.memref_slice %arg3[%dma_wait3A_13] : memref<819200xi32, #tpu.memory_space<hbm>> -> memref<128xi32, #tpu.memory_space<hbm>>
    tpu.wait_dma2 semaphore(%arg13 : memref<!tpu.dma_semaphore, #tpu.memory_space<semaphore_mem>>) src(%dma_wait3A_14 : memref<128xi32, #tpu.memory_space<hbm>>) dst(%arg9 : memref<128xi32, #tpu.memory_space<vmem>>)
    %dma_start3A_15 = arith.constant 0 : i32
    %dma_start3A_16 = arith.constant 0 : i32
    %dma_start3A_17 = arith.constant 0 : i32
    %dma_start3A_18 = tpu.memref_slice %arg11[%dma_start3A_15, %dma_start3A_16, %dma_start3A_17] : memref<2x128x128xf32, #tpu.memory_space<vmem>> -> memref<1x128x128xf32, #tpu.memory_space<vmem>>
    %dma_start3A_19 = tpu.memref_squeeze %dma_start3A_18 : memref<1x128x128xf32, #tpu.memory_space<vmem>> -> memref<128x128xf32, #tpu.memory_space<vmem>>
    %dma_start3A_20 = arith.constant 0 : i32
    %dma_start3A_21 = tpu.memref_slice %arg7[%dma_start3A_20] : memref<128xi32, #tpu.memory_space<vmem>> -> memref<128xi32, #tpu.memory_space<vmem>>
    %dma_start3A_22 = arith.constant 0 : i32
    %dma_start3A_23 = arith.constant 0 : i32
    %dma_start3A_24 = tpu.memref_slice %arg4[%dma_start3A_22, %dma_start3A_23] : memref<100000x128xf32, #tpu.memory_space<hbm>> -> memref<100000x128xf32, #tpu.memory_space<hbm>>
    tpu.enqueue_indirect_dma source(%dma_start3A_24 : memref<100000x128xf32, #tpu.memory_space<hbm>>) target(%dma_start3A_19 : memref<128x128xf32, #tpu.memory_space<vmem>>) offsets(%dma_start3A_21 : memref<128xi32, #tpu.memory_space<vmem>>) semaphore(%arg15 : memref<!tpu.dma_semaphore, #tpu.memory_space<semaphore_mem>>)
    %dma_start3A_25 = arith.constant 0 : i32
    %dma_start3A_26 = arith.constant 0 : i32
    %dma_start3A_27 = arith.constant 0 : i32
    %dma_start3A_28 = tpu.memref_slice %arg12[%dma_start3A_25, %dma_start3A_26, %dma_start3A_27] : memref<2x128x128xf32, #tpu.memory_space<vmem>> -> memref<1x128x128xf32, #tpu.memory_space<vmem>>
    %dma_start3A_29 = tpu.memref_squeeze %dma_start3A_28 : memref<1x128x128xf32, #tpu.memory_space<vmem>> -> memref<128x128xf32, #tpu.memory_space<vmem>>
    %dma_start3A_30 = arith.constant 0 : i32
    %dma_start3A_31 = tpu.memref_slice %arg9[%dma_start3A_30] : memref<128xi32, #tpu.memory_space<vmem>> -> memref<128xi32, #tpu.memory_space<vmem>>
    %dma_start3A_32 = arith.constant 0 : i32
    %dma_start3A_33 = arith.constant 0 : i32
    %dma_start3A_34 = tpu.memref_slice %arg5[%dma_start3A_32, %dma_start3A_33] : memref<400x128xf32, #tpu.memory_space<hbm>> -> memref<400x128xf32, #tpu.memory_space<hbm>>
    tpu.enqueue_indirect_dma source(%dma_start3A_34 : memref<400x128xf32, #tpu.memory_space<hbm>>) target(%dma_start3A_29 : memref<128x128xf32, #tpu.memory_space<vmem>>) offsets(%dma_start3A_31 : memref<128xi32, #tpu.memory_space<vmem>>) semaphore(%arg15 : memref<!tpu.dma_semaphore, #tpu.memory_space<semaphore_mem>>)
    %mul3A_35 = arith.constant 25600 : i32
    %mul3A_36 = arith.muli %add3A, %mul3A_35 : i32
    %add3A_37 = arith.constant 128 : i32
    %add3A_38 = arith.addi %mul3A_36, %add3A_37 : i32
    %dma_start3A_39 = tpu.memref_slice %arg2[%add3A_38] : memref<819200xi32, #tpu.memory_space<hbm>> -> memref<128xi32, #tpu.memory_space<hbm>>
    %dma_start3A_40 = tpu.memref_slice %arg2[%add3A_38] : memref<819200xi32, #tpu.memory_space<hbm>> -> memref<128xi32, #tpu.memory_space<hbm>>
    tpu.enqueue_dma source(%dma_start3A_40 : memref<128xi32, #tpu.memory_space<hbm>>) target(%arg8 : memref<128xi32, #tpu.memory_space<vmem>>) target_semaphore(%arg14 : memref<!tpu.dma_semaphore, #tpu.memory_space<semaphore_mem>>)
    %dma_start3A_41 = tpu.memref_slice %arg3[%add3A_38] : memref<819200xi32, #tpu.memory_space<hbm>> -> memref<128xi32, #tpu.memory_space<hbm>>
    %dma_start3A_42 = tpu.memref_slice %arg3[%add3A_38] : memref<819200xi32, #tpu.memory_space<hbm>> -> memref<128xi32, #tpu.memory_space<hbm>>
    tpu.enqueue_dma source(%dma_start3A_42 : memref<128xi32, #tpu.memory_space<hbm>>) target(%arg10 : memref<128xi32, #tpu.memory_space<vmem>>) target_semaphore(%arg14 : memref<!tpu.dma_semaphore, #tpu.memory_space<semaphore_mem>>)
    %scan3A = arith.constant 0 : i32
    %scan3A_43 = arith.constant 0 : i32
    %scan3A_44 = arith.constant 100 : i32
    %scan3A_45 = arith.addi %scan3A_43, %scan3A_44 : i32
    %scan3A_46 = arith.constant 1 : i32
    scf.for %scan3A_78 = %scan3A_43 to %scan3A_45 step %scan3A_46  : i32 {
      %mul3A_79 = arith.constant 2 : i32
      %mul3A_80 = arith.muli %mul3A_79, %scan3A_78 : i32
      %add3A_81 = arith.constant 1 : i32
      %add3A_82 = arith.addi %mul3A_80, %add3A_81 : i32
      %lt3A = arith.constant 200 : i32
      %lt3A_83 = arith.cmpi slt, %add3A_82, %lt3A : i32
      %convert_element_type3A = arith.extui %lt3A_83 : i1 to i32
      %cond3A = arith.constant 0 : i32
      %cond3A_84 = arith.cmpi ne, %convert_element_type3A, %cond3A : i32
      scf.if %cond3A_84 {
        %dma_wait3A_218 = arith.constant 0 : i32
        %dma_wait3A_219 = tpu.memref_slice %arg2[%dma_wait3A_218] : memref<819200xi32, #tpu.memory_space<hbm>> -> memref<128xi32, #tpu.memory_space<hbm>>
        %dma_wait3A_220 = arith.constant 0 : i32
        %dma_wait3A_221 = tpu.memref_slice %arg2[%dma_wait3A_220] : memref<819200xi32, #tpu.memory_space<hbm>> -> memref<128xi32, #tpu.memory_space<hbm>>
        tpu.wait_dma2 semaphore(%arg14 : memref<!tpu.dma_semaphore, #tpu.memory_space<semaphore_mem>>) src(%dma_wait3A_221 : memref<128xi32, #tpu.memory_space<hbm>>) dst(%arg8 : memref<128xi32, #tpu.memory_space<vmem>>)
        %dma_wait3A_222 = arith.constant 0 : i32
        %dma_wait3A_223 = tpu.memref_slice %arg3[%dma_wait3A_222] : memref<819200xi32, #tpu.memory_space<hbm>> -> memref<128xi32, #tpu.memory_space<hbm>>
        %dma_wait3A_224 = arith.constant 0 : i32
        %dma_wait3A_225 = tpu.memref_slice %arg3[%dma_wait3A_224] : memref<819200xi32, #tpu.memory_space<hbm>> -> memref<128xi32, #tpu.memory_space<hbm>>
        tpu.wait_dma2 semaphore(%arg14 : memref<!tpu.dma_semaphore, #tpu.memory_space<semaphore_mem>>) src(%dma_wait3A_225 : memref<128xi32, #tpu.memory_space<hbm>>) dst(%arg10 : memref<128xi32, #tpu.memory_space<vmem>>)
        %ge3A = arith.constant 1 : i32
        %ge3A_226 = arith.cmpi sge, %mul3A_80, %ge3A : i32
        %convert_element_type3A_227 = arith.extui %ge3A_226 : i1 to i32
        %cond3A_228 = arith.constant 0 : i32
        %cond3A_229 = arith.cmpi ne, %convert_element_type3A_227, %cond3A_228 : i32
        scf.if %cond3A_229 {
          %dma_wait3A_250 = arith.constant 1 : i32
          %dma_wait3A_251 = arith.constant 0 : i32
          %dma_wait3A_252 = arith.constant 0 : i32
          %dma_wait3A_253 = tpu.memref_slice %arg11[%dma_wait3A_250, %dma_wait3A_251, %dma_wait3A_252] : memref<2x128x128xf32, #tpu.memory_space<vmem>> -> memref<1x128x128xf32, #tpu.memory_space<vmem>>
          %dma_wait3A_254 = tpu.memref_squeeze %dma_wait3A_253 : memref<1x128x128xf32, #tpu.memory_space<vmem>> -> memref<128x128xf32, #tpu.memory_space<vmem>>
          %dma_wait3A_255 = arith.constant 0 : i32
          %dma_wait3A_256 = arith.constant 0 : i32
          %dma_wait3A_257 = tpu.memref_slice %arg6[%dma_wait3A_255, %dma_wait3A_256] : memref<819200x128xf32, #tpu.memory_space<hbm>> -> memref<128x128xf32, #tpu.memory_space<hbm>>
          %dma_wait3A_258 = arith.constant 0 : i32
          %dma_wait3A_259 = arith.constant 0 : i32
          %dma_wait3A_260 = tpu.memref_slice %arg6[%dma_wait3A_258, %dma_wait3A_259] : memref<819200x128xf32, #tpu.memory_space<hbm>> -> memref<128x128xf32, #tpu.memory_space<hbm>>
          %dma_wait3A_261 = arith.constant 0 : i32
          %dma_wait3A_262 = arith.constant 0 : i32
          %dma_wait3A_263 = tpu.memref_slice %arg11[%dma_wait3A_250, %dma_wait3A_261, %dma_wait3A_262] : memref<2x128x128xf32, #tpu.memory_space<vmem>> -> memref<1x128x128xf32, #tpu.memory_space<vmem>>
          %dma_wait3A_264 = tpu.memref_squeeze %dma_wait3A_263 : memref<1x128x128xf32, #tpu.memory_space<vmem>> -> memref<128x128xf32, #tpu.memory_space<vmem>>
          tpu.wait_dma2 semaphore(%arg18 : memref<!tpu.dma_semaphore, #tpu.memory_space<semaphore_mem>>) src(%dma_wait3A_264 : memref<128x128xf32, #tpu.memory_space<vmem>>) dst(%dma_wait3A_260 : memref<128x128xf32, #tpu.memory_space<hbm>>)
        } else {
        }
        %dma_start3A_230 = arith.constant 1 : i32
        %dma_start3A_231 = arith.constant 0 : i32
        %dma_start3A_232 = arith.constant 0 : i32
        %dma_start3A_233 = tpu.memref_slice %arg11[%dma_start3A_230, %dma_start3A_231, %dma_start3A_232] : memref<2x128x128xf32, #tpu.memory_space<vmem>> -> memref<1x128x128xf32, #tpu.memory_space<vmem>>
        %dma_start3A_234 = tpu.memref_squeeze %dma_start3A_233 : memref<1x128x128xf32, #tpu.memory_space<vmem>> -> memref<128x128xf32, #tpu.memory_space<vmem>>
        %dma_start3A_235 = arith.constant 0 : i32
        %dma_start3A_236 = tpu.memref_slice %arg8[%dma_start3A_235] : memref<128xi32, #tpu.memory_space<vmem>> -> memref<128xi32, #tpu.memory_space<vmem>>
        %dma_start3A_237 = arith.constant 0 : i32
        %dma_start3A_238 = arith.constant 0 : i32
        %dma_start3A_239 = tpu.memref_slice %arg4[%dma_start3A_237, %dma_start3A_238] : memref<100000x128xf32, #tpu.memory_space<hbm>> -> memref<100000x128xf32, #tpu.memory_space<hbm>>
        tpu.enqueue_indirect_dma source(%dma_start3A_239 : memref<100000x128xf32, #tpu.memory_space<hbm>>) target(%dma_start3A_234 : memref<128x128xf32, #tpu.memory_space<vmem>>) offsets(%dma_start3A_236 : memref<128xi32, #tpu.memory_space<vmem>>) semaphore(%arg16 : memref<!tpu.dma_semaphore, #tpu.memory_space<semaphore_mem>>)
        %dma_start3A_240 = arith.constant 1 : i32
        %dma_start3A_241 = arith.constant 0 : i32
        %dma_start3A_242 = arith.constant 0 : i32
        %dma_start3A_243 = tpu.memref_slice %arg12[%dma_start3A_240, %dma_start3A_241, %dma_start3A_242] : memref<2x128x128xf32, #tpu.memory_space<vmem>> -> memref<1x128x128xf32, #tpu.memory_space<vmem>>
        %dma_start3A_244 = tpu.memref_squeeze %dma_start3A_243 : memref<1x128x128xf32, #tpu.memory_space<vmem>> -> memref<128x128xf32, #tpu.memory_space<vmem>>
        %dma_start3A_245 = arith.constant 0 : i32
        %dma_start3A_246 = tpu.memref_slice %arg10[%dma_start3A_245] : memref<128xi32, #tpu.memory_space<vmem>> -> memref<128xi32, #tpu.memory_space<vmem>>
        %dma_start3A_247 = arith.constant 0 : i32
        %dma_start3A_248 = arith.constant 0 : i32
        %dma_start3A_249 = tpu.memref_slice %arg5[%dma_start3A_247, %dma_start3A_248] : memref<400x128xf32, #tpu.memory_space<hbm>> -> memref<400x128xf32, #tpu.memory_space<hbm>>
        tpu.enqueue_indirect_dma source(%dma_start3A_249 : memref<400x128xf32, #tpu.memory_space<hbm>>) target(%dma_start3A_244 : memref<128x128xf32, #tpu.memory_space<vmem>>) offsets(%dma_start3A_246 : memref<128xi32, #tpu.memory_space<vmem>>) semaphore(%arg16 : memref<!tpu.dma_semaphore, #tpu.memory_space<semaphore_mem>>)
      } else {
      }
      %dma_wait3A_85 = arith.constant 0 : i32
      %dma_wait3A_86 = arith.constant 0 : i32
      %dma_wait3A_87 = arith.constant 0 : i32
      %dma_wait3A_88 = tpu.memref_slice %arg11[%dma_wait3A_85, %dma_wait3A_86, %dma_wait3A_87] : memref<2x128x128xf32, #tpu.memory_space<vmem>> -> memref<1x128x128xf32, #tpu.memory_space<vmem>>
      %dma_wait3A_89 = tpu.memref_squeeze %dma_wait3A_88 : memref<1x128x128xf32, #tpu.memory_space<vmem>> -> memref<128x128xf32, #tpu.memory_space<vmem>>
      %dma_wait3A_90 = arith.constant 0 : i32
      %dma_wait3A_91 = arith.constant 0 : i32
      %dma_wait3A_92 = tpu.memref_slice %arg4[%dma_wait3A_90, %dma_wait3A_91] : memref<100000x128xf32, #tpu.memory_space<hbm>> -> memref<128x128xf32, #tpu.memory_space<hbm>>
      %dma_wait3A_93 = arith.constant 0 : i32
      %dma_wait3A_94 = arith.constant 0 : i32
      %dma_wait3A_95 = tpu.memref_slice %arg11[%dma_wait3A_85, %dma_wait3A_93, %dma_wait3A_94] : memref<2x128x128xf32, #tpu.memory_space<vmem>> -> memref<1x128x128xf32, #tpu.memory_space<vmem>>
      %dma_wait3A_96 = tpu.memref_squeeze %dma_wait3A_95 : memref<1x128x128xf32, #tpu.memory_space<vmem>> -> memref<128x128xf32, #tpu.memory_space<vmem>>
      %dma_wait3A_97 = arith.constant 0 : i32
      %dma_wait3A_98 = arith.constant 0 : i32
      %dma_wait3A_99 = tpu.memref_slice %arg4[%dma_wait3A_97, %dma_wait3A_98] : memref<100000x128xf32, #tpu.memory_space<hbm>> -> memref<128x128xf32, #tpu.memory_space<hbm>>
      tpu.wait_dma2 semaphore(%arg15 : memref<!tpu.dma_semaphore, #tpu.memory_space<semaphore_mem>>) src(%dma_wait3A_99 : memref<128x128xf32, #tpu.memory_space<hbm>>) dst(%dma_wait3A_96 : memref<128x128xf32, #tpu.memory_space<vmem>>)
      %dma_wait3A_100 = arith.constant 0 : i32
      %dma_wait3A_101 = arith.constant 0 : i32
      %dma_wait3A_102 = arith.constant 0 : i32
      %dma_wait3A_103 = tpu.memref_slice %arg12[%dma_wait3A_100, %dma_wait3A_101, %dma_wait3A_102] : memref<2x128x128xf32, #tpu.memory_space<vmem>> -> memref<1x128x128xf32, #tpu.memory_space<vmem>>
      %dma_wait3A_104 = tpu.memref_squeeze %dma_wait3A_103 : memref<1x128x128xf32, #tpu.memory_space<vmem>> -> memref<128x128xf32, #tpu.memory_space<vmem>>
      %dma_wait3A_105 = arith.constant 0 : i32
      %dma_wait3A_106 = arith.constant 0 : i32
      %dma_wait3A_107 = tpu.memref_slice %arg5[%dma_wait3A_105, %dma_wait3A_106] : memref<400x128xf32, #tpu.memory_space<hbm>> -> memref<128x128xf32, #tpu.memory_space<hbm>>
      %dma_wait3A_108 = arith.constant 0 : i32
      %dma_wait3A_109 = arith.constant 0 : i32
      %dma_wait3A_110 = tpu.memref_slice %arg12[%dma_wait3A_100, %dma_wait3A_108, %dma_wait3A_109] : memref<2x128x128xf32, #tpu.memory_space<vmem>> -> memref<1x128x128xf32, #tpu.memory_space<vmem>>
      %dma_wait3A_111 = tpu.memref_squeeze %dma_wait3A_110 : memref<1x128x128xf32, #tpu.memory_space<vmem>> -> memref<128x128xf32, #tpu.memory_space<vmem>>
      %dma_wait3A_112 = arith.constant 0 : i32
      %dma_wait3A_113 = arith.constant 0 : i32
      %dma_wait3A_114 = tpu.memref_slice %arg5[%dma_wait3A_112, %dma_wait3A_113] : memref<400x128xf32, #tpu.memory_space<hbm>> -> memref<128x128xf32, #tpu.memory_space<hbm>>
      tpu.wait_dma2 semaphore(%arg15 : memref<!tpu.dma_semaphore, #tpu.memory_space<semaphore_mem>>) src(%dma_wait3A_114 : memref<128x128xf32, #tpu.memory_space<hbm>>) dst(%dma_wait3A_111 : memref<128x128xf32, #tpu.memory_space<vmem>>)
      %add3A_115 = arith.constant 2 : i32
      %add3A_116 = arith.addi %mul3A_80, %add3A_115 : i32
      %lt3A_117 = arith.constant 200 : i32
      %lt3A_118 = arith.cmpi slt, %add3A_116, %lt3A_117 : i32
      %convert_element_type3A_119 = arith.extui %lt3A_118 : i1 to i32
      %cond3A_120 = arith.constant 0 : i32
      %cond3A_121 = arith.cmpi ne, %convert_element_type3A_119, %cond3A_120 : i32
      scf.if %cond3A_121 {
        %add3A_218 = arith.constant 2 : i32
        %add3A_219 = arith.addi %mul3A_80, %add3A_218 : i32
        %mul3A_220 = arith.constant 25600 : i32
        %mul3A_221 = arith.muli %add3A, %mul3A_220 : i32
        %mul3A_222 = arith.constant 128 : i32
        %mul3A_223 = arith.muli %add3A_219, %mul3A_222 : i32
        %add3A_224 = arith.addi %mul3A_221, %mul3A_223 : i32
        %dma_start3A_225 = tpu.memref_slice %arg2[%add3A_224] : memref<819200xi32, #tpu.memory_space<hbm>> -> memref<128xi32, #tpu.memory_space<hbm>>
        %dma_start3A_226 = tpu.memref_slice %arg2[%add3A_224] : memref<819200xi32, #tpu.memory_space<hbm>> -> memref<128xi32, #tpu.memory_space<hbm>>
        tpu.enqueue_dma source(%dma_start3A_226 : memref<128xi32, #tpu.memory_space<hbm>>) target(%arg7 : memref<128xi32, #tpu.memory_space<vmem>>) target_semaphore(%arg13 : memref<!tpu.dma_semaphore, #tpu.memory_space<semaphore_mem>>)
        %dma_start3A_227 = tpu.memref_slice %arg3[%add3A_224] : memref<819200xi32, #tpu.memory_space<hbm>> -> memref<128xi32, #tpu.memory_space<hbm>>
        %dma_start3A_228 = tpu.memref_slice %arg3[%add3A_224] : memref<819200xi32, #tpu.memory_space<hbm>> -> memref<128xi32, #tpu.memory_space<hbm>>
        tpu.enqueue_dma source(%dma_start3A_228 : memref<128xi32, #tpu.memory_space<hbm>>) target(%arg9 : memref<128xi32, #tpu.memory_space<vmem>>) target_semaphore(%arg13 : memref<!tpu.dma_semaphore, #tpu.memory_space<semaphore_mem>>)
      } else {
      }
      %scan3A_122 = arith.constant 0 : i32
      %scan3A_123 = arith.constant 0 : i32
      %scan3A_124 = arith.constant 128 : i32
      %scan3A_125 = arith.addi %scan3A_123, %scan3A_124 : i32
      %scan3A_126 = arith.constant 4 : i32
      scf.for %scan3A_218 = %scan3A_123 to %scan3A_125 step %scan3A_126  : i32 {
        %get3A = arith.constant 0 : i32
        %get3A_219 = arith.index_cast %get3A : i32 to index
        %get3A_220 = arith.index_cast %scan3A_218 : i32 to index
        %get3A_221 = arith.constant 0 : index
        %get3A_222 = tpu.vector_load %arg12[%get3A_219, %get3A_220, %get3A_221] {strides = array<i32>} : memref<2x128x128xf32, #tpu.memory_space<vmem>>, vector<1x1x16xf32>,
        %get3A_223 = vector.shape_cast %get3A_222 : vector<1x1x16xf32> to vector<16xf32>
        %swap3A = arith.constant 0 : i32
        %swap3A_224 = arith.index_cast %swap3A : i32 to index
        %swap3A_225 = arith.index_cast %scan3A_218 : i32 to index
        %swap3A_226 = arith.constant 0 : index
        %swap3A_227 = tpu.vector_load %arg11[%swap3A_224, %swap3A_225, %swap3A_226] {strides = array<i32>} : memref<2x128x128xf32, #tpu.memory_space<vmem>>, vector<1x1x16xf32>,
        %swap3A_228 = vector.shape_cast %swap3A_227 : vector<1x1x16xf32> to vector<16xf32>
        %swap3A_229 = vector.shape_cast %get3A_223 : vector<16xf32> to vector<1x1x16xf32>
        tpu.vector_store %arg11[%swap3A_224, %swap3A_225, %swap3A_226], %swap3A_229 {add = true, strides = array<i32>} : memref<2x128x128xf32, #tpu.memory_space<vmem>>, vector<1x1x16xf32>,
        %get3A_230 = arith.constant 0 : i32
        %get3A_231 = arith.index_cast %get3A_230 : i32 to index
        %get3A_232 = arith.index_cast %scan3A_218 : i32 to index
        %get3A_233 = arith.constant 16 : index
        %get3A_234 = tpu.vector_load %arg12[%get3A_231, %get3A_232, %get3A_233] {strides = array<i32>} : memref<2x128x128xf32, #tpu.memory_space<vmem>>, vector<1x1x16xf32>,
        %get3A_235 = vector.shape_cast %get3A_234 : vector<1x1x16xf32> to vector<16xf32>
        %swap3A_236 = arith.constant 0 : i32
        %swap3A_237 = arith.index_cast %swap3A_236 : i32 to index
        %swap3A_238 = arith.index_cast %scan3A_218 : i32 to index
        %swap3A_239 = arith.constant 16 : index
        %swap3A_240 = tpu.vector_load %arg11[%swap3A_237, %swap3A_238, %swap3A_239] {strides = array<i32>} : memref<2x128x128xf32, #tpu.memory_space<vmem>>, vector<1x1x16xf32>,
        %swap3A_241 = vector.shape_cast %swap3A_240 : vector<1x1x16xf32> to vector<16xf32>
        %swap3A_242 = vector.shape_cast %get3A_235 : vector<16xf32> to vector<1x1x16xf32>
        tpu.vector_store %arg11[%swap3A_237, %swap3A_238, %swap3A_239], %swap3A_242 {add = true, strides = array<i32>} : memref<2x128x128xf32, #tpu.memory_space<vmem>>, vector<1x1x16xf32>,
        %get3A_243 = arith.constant 0 : i32
        %get3A_244 = arith.index_cast %get3A_243 : i32 to index
        %get3A_245 = arith.index_cast %scan3A_218 : i32 to index
        %get3A_246 = arith.constant 32 : index
        %get3A_247 = tpu.vector_load %arg12[%get3A_244, %get3A_245, %get3A_246] {strides = array<i32>} : memref<2x128x128xf32, #tpu.memory_space<vmem>>, vector<1x1x16xf32>,
        %get3A_248 = vector.shape_cast %get3A_247 : vector<1x1x16xf32> to vector<16xf32>
        %swap3A_249 = arith.constant 0 : i32
        %swap3A_250 = arith.index_cast %swap3A_249 : i32 to index
        %swap3A_251 = arith.index_cast %scan3A_218 : i32 to index
        %swap3A_252 = arith.constant 32 : index
        %swap3A_253 = tpu.vector_load %arg11[%swap3A_250, %swap3A_251, %swap3A_252] {strides = array<i32>} : memref<2x128x128xf32, #tpu.memory_space<vmem>>, vector<1x1x16xf32>,
        %swap3A_254 = vector.shape_cast %swap3A_253 : vector<1x1x16xf32> to vector<16xf32>
        %swap3A_255 = vector.shape_cast %get3A_248 : vector<16xf32> to vector<1x1x16xf32>
        tpu.vector_store %arg11[%swap3A_250, %swap3A_251, %swap3A_252], %swap3A_255 {add = true, strides = array<i32>} : memref<2x128x128xf32, #tpu.memory_space<vmem>>, vector<1x1x16xf32>,
        %get3A_256 = arith.constant 0 : i32
        %get3A_257 = arith.index_cast %get3A_256 : i32 to index
        %get3A_258 = arith.index_cast %scan3A_218 : i32 to index
        %get3A_259 = arith.constant 48 : index
        %get3A_260 = tpu.vector_load %arg12[%get3A_257, %get3A_258, %get3A_259] {strides = array<i32>} : memref<2x128x128xf32, #tpu.memory_space<vmem>>, vector<1x1x16xf32>,
        %get3A_261 = vector.shape_cast %get3A_260 : vector<1x1x16xf32> to vector<16xf32>
        %swap3A_262 = arith.constant 0 : i32
        %swap3A_263 = arith.index_cast %swap3A_262 : i32 to index
        %swap3A_264 = arith.index_cast %scan3A_218 : i32 to index
        %swap3A_265 = arith.constant 48 : index
        %swap3A_266 = tpu.vector_load %arg11[%swap3A_263, %swap3A_264, %swap3A_265] {strides = array<i32>} : memref<2x128x128xf32, #tpu.memory_space<vmem>>, vector<1x1x16xf32>,
        %swap3A_267 = vector.shape_cast %swap3A_266 : vector<1x1x16xf32> to vector<16xf32>
        %swap3A_268 = vector.shape_cast %get3A_261 : vector<16xf32> to vector<1x1x16xf32>
        tpu.vector_store %arg11[%swap3A_263, %swap3A_264, %swap3A_265], %swap3A_268 {add = true, strides = array<i32>} : memref<2x128x128xf32, #tpu.memory_space<vmem>>, vector<1x1x16xf32>,
        %scan3A_269 = arith.constant 1 : i32
        %scan3A_270 = arith.addi %scan3A_218, %scan3A_269 : i32
        %get3A_271 = arith.constant 0 : i32
        %get3A_272 = arith.index_cast %get3A_271 : i32 to index
        %get3A_273 = arith.index_cast %scan3A_270 : i32 to index
        %get3A_274 = arith.constant 0 : index
        %get3A_275 = tpu.vector_load %arg12[%get3A_272, %get3A_273, %get3A_274] {strides = array<i32>} : memref<2x128x128xf32, #tpu.memory_space<vmem>>, vector<1x1x16xf32>,
        %get3A_276 = vector.shape_cast %get3A_275 : vector<1x1x16xf32> to vector<16xf32>
        %swap3A_277 = arith.constant 0 : i32
        %swap3A_278 = arith.index_cast %swap3A_277 : i32 to index
        %swap3A_279 = arith.index_cast %scan3A_270 : i32 to index
        %swap3A_280 = arith.constant 0 : index
        %swap3A_281 = tpu.vector_load %arg11[%swap3A_278, %swap3A_279, %swap3A_280] {strides = array<i32>} : memref<2x128x128xf32, #tpu.memory_space<vmem>>, vector<1x1x16xf32>,
        %swap3A_282 = vector.shape_cast %swap3A_281 : vector<1x1x16xf32> to vector<16xf32>
        %swap3A_283 = vector.shape_cast %get3A_276 : vector<16xf32> to vector<1x1x16xf32>
        tpu.vector_store %arg11[%swap3A_278, %swap3A_279, %swap3A_280], %swap3A_283 {add = true, strides = array<i32>} : memref<2x128x128xf32, #tpu.memory_space<vmem>>, vector<1x1x16xf32>,
        %get3A_284 = arith.constant 0 : i32
        %get3A_285 = arith.index_cast %get3A_284 : i32 to index
        %get3A_286 = arith.index_cast %scan3A_270 : i32 to index
        %get3A_287 = arith.constant 16 : index
        %get3A_288 = tpu.vector_load %arg12[%get3A_285, %get3A_286, %get3A_287] {strides = array<i32>} : memref<2x128x128xf32, #tpu.memory_space<vmem>>, vector<1x1x16xf32>,
        %get3A_289 = vector.shape_cast %get3A_288 : vector<1x1x16xf32> to vector<16xf32>
        %swap3A_290 = arith.constant 0 : i32
        %swap3A_291 = arith.index_cast %swap3A_290 : i32 to index
        %swap3A_292 = arith.index_cast %scan3A_270 : i32 to index
        %swap3A_293 = arith.constant 16 : index
        %swap3A_294 = tpu.vector_load %arg11[%swap3A_291, %swap3A_292, %swap3A_293] {strides = array<i32>} : memref<2x128x128xf32, #tpu.memory_space<vmem>>, vector<1x1x16xf32>,
        %swap3A_295 = vector.shape_cast %swap3A_294 : vector<1x1x16xf32> to vector<16xf32>
        %swap3A_296 = vector.shape_cast %get3A_289 : vector<16xf32> to vector<1x1x16xf32>
        tpu.vector_store %arg11[%swap3A_291, %swap3A_292, %swap3A_293], %swap3A_296 {add = true, strides = array<i32>} : memref<2x128x128xf32, #tpu.memory_space<vmem>>, vector<1x1x16xf32>,
        %get3A_297 = arith.constant 0 : i32
        %get3A_298 = arith.index_cast %get3A_297 : i32 to index
        %get3A_299 = arith.index_cast %scan3A_270 : i32 to index
        %get3A_300 = arith.constant 32 : index
        %get3A_301 = tpu.vector_load %arg12[%get3A_298, %get3A_299, %get3A_300] {strides = array<i32>} : memref<2x128x128xf32, #tpu.memory_space<vmem>>, vector<1x1x16xf32>,
        %get3A_302 = vector.shape_cast %get3A_301 : vector<1x1x16xf32> to vector<16xf32>
        %swap3A_303 = arith.constant 0 : i32
        %swap3A_304 = arith.index_cast %swap3A_303 : i32 to index
        %swap3A_305 = arith.index_cast %scan3A_270 : i32 to index
        %swap3A_306 = arith.constant 32 : index
        %swap3A_307 = tpu.vector_load %arg11[%swap3A_304, %swap3A_305, %swap3A_306] {strides = array<i32>} : memref<2x128x128xf32, #tpu.memory_space<vmem>>, vector<1x1x16xf32>,
        %swap3A_308 = vector.shape_cast %swap3A_307 : vector<1x1x16xf32> to vector<16xf32>
        %swap3A_309 = vector.shape_cast %get3A_302 : vector<16xf32> to vector<1x1x16xf32>
        tpu.vector_store %arg11[%swap3A_304, %swap3A_305, %swap3A_306], %swap3A_309 {add = true, strides = array<i32>} : memref<2x128x128xf32, #tpu.memory_space<vmem>>, vector<1x1x16xf32>,
        %get3A_310 = arith.constant 0 : i32
        %get3A_311 = arith.index_cast %get3A_310 : i32 to index
        %get3A_312 = arith.index_cast %scan3A_270 : i32 to index
        %get3A_313 = arith.constant 48 : index
        %get3A_314 = tpu.vector_load %arg12[%get3A_311, %get3A_312, %get3A_313] {strides = array<i32>} : memref<2x128x128xf32, #tpu.memory_space<vmem>>, vector<1x1x16xf32>,
        %get3A_315 = vector.shape_cast %get3A_314 : vector<1x1x16xf32> to vector<16xf32>
        %swap3A_316 = arith.constant 0 : i32
        %swap3A_317 = arith.index_cast %swap3A_316 : i32 to index
        %swap3A_318 = arith.index_cast %scan3A_270 : i32 to index
        %swap3A_319 = arith.constant 48 : index
        %swap3A_320 = tpu.vector_load %arg11[%swap3A_317, %swap3A_318, %swap3A_319] {strides = array<i32>} : memref<2x128x128xf32, #tpu.memory_space<vmem>>, vector<1x1x16xf32>,
        %swap3A_321 = vector.shape_cast %swap3A_320 : vector<1x1x16xf32> to vector<16xf32>
        %swap3A_322 = vector.shape_cast %get3A_315 : vector<16xf32> to vector<1x1x16xf32>
        tpu.vector_store %arg11[%swap3A_317, %swap3A_318, %swap3A_319], %swap3A_322 {add = true, strides = array<i32>} : memref<2x128x128xf32, #tpu.memory_space<vmem>>, vector<1x1x16xf32>,
        %scan3A_323 = arith.constant 2 : i32
        %scan3A_324 = arith.addi %scan3A_218, %scan3A_323 : i32
        %get3A_325 = arith.constant 0 : i32
        %get3A_326 = arith.index_cast %get3A_325 : i32 to index
        %get3A_327 = arith.index_cast %scan3A_324 : i32 to index
        %get3A_328 = arith.constant 0 : index
        %get3A_329 = tpu.vector_load %arg12[%get3A_326, %get3A_327, %get3A_328] {strides = array<i32>} : memref<2x128x128xf32, #tpu.memory_space<vmem>>, vector<1x1x16xf32>,
        %get3A_330 = vector.shape_cast %get3A_329 : vector<1x1x16xf32> to vector<16xf32>
        %swap3A_331 = arith.constant 0 : i32
        %swap3A_332 = arith.index_cast %swap3A_331 : i32 to index
        %swap3A_333 = arith.index_cast %scan3A_324 : i32 to index
        %swap3A_334 = arith.constant 0 : index
        %swap3A_335 = tpu.vector_load %arg11[%swap3A_332, %swap3A_333, %swap3A_334] {strides = array<i32>} : memref<2x128x128xf32, #tpu.memory_space<vmem>>, vector<1x1x16xf32>,
        %swap3A_336 = vector.shape_cast %swap3A_335 : vector<1x1x16xf32> to vector<16xf32>
        %swap3A_337 = vector.shape_cast %get3A_330 : vector<16xf32> to vector<1x1x16xf32>
        tpu.vector_store %arg11[%swap3A_332, %swap3A_333, %swap3A_334], %swap3A_337 {add = true, strides = array<i32>} : memref<2x128x128xf32, #tpu.memory_space<vmem>>, vector<1x1x16xf32>,
        %get3A_338 = arith.constant 0 : i32
        %get3A_339 = arith.index_cast %get3A_338 : i32 to index
        %get3A_340 = arith.index_cast %scan3A_324 : i32 to index
        %get3A_341 = arith.constant 16 : index
        %get3A_342 = tpu.vector_load %arg12[%get3A_339, %get3A_340, %get3A_341] {strides = array<i32>} : memref<2x128x128xf32, #tpu.memory_space<vmem>>, vector<1x1x16xf32>,
        %get3A_343 = vector.shape_cast %get3A_342 : vector<1x1x16xf32> to vector<16xf32>
        %swap3A_344 = arith.constant 0 : i32
        %swap3A_345 = arith.index_cast %swap3A_344 : i32 to index
        %swap3A_346 = arith.index_cast %scan3A_324 : i32 to index
        %swap3A_347 = arith.constant 16 : index
        %swap3A_348 = tpu.vector_load %arg11[%swap3A_345, %swap3A_346, %swap3A_347] {strides = array<i32>} : memref<2x128x128xf32, #tpu.memory_space<vmem>>, vector<1x1x16xf32>,
        %swap3A_349 = vector.shape_cast %swap3A_348 : vector<1x1x16xf32> to vector<16xf32>
        %swap3A_350 = vector.shape_cast %get3A_343 : vector<16xf32> to vector<1x1x16xf32>
        tpu.vector_store %arg11[%swap3A_345, %swap3A_346, %swap3A_347], %swap3A_350 {add = true, strides = array<i32>} : memref<2x128x128xf32, #tpu.memory_space<vmem>>, vector<1x1x16xf32>,
        %get3A_351 = arith.constant 0 : i32
        %get3A_352 = arith.index_cast %get3A_351 : i32 to index
        %get3A_353 = arith.index_cast %scan3A_324 : i32 to index
        %get3A_354 = arith.constant 32 : index
        %get3A_355 = tpu.vector_load %arg12[%get3A_352, %get3A_353, %get3A_354] {strides = array<i32>} : memref<2x128x128xf32, #tpu.memory_space<vmem>>, vector<1x1x16xf32>,
        %get3A_356 = vector.shape_cast %get3A_355 : vector<1x1x16xf32> to vector<16xf32>
        %swap3A_357 = arith.constant 0 : i32
        %swap3A_358 = arith.index_cast %swap3A_357 : i32 to index
        %swap3A_359 = arith.index_cast %scan3A_324 : i32 to index
        %swap3A_360 = arith.constant 32 : index
        %swap3A_361 = tpu.vector_load %arg11[%swap3A_358, %swap3A_359, %swap3A_360] {strides = array<i32>} : memref<2x128x128xf32, #tpu.memory_space<vmem>>, vector<1x1x16xf32>,
        %swap3A_362 = vector.shape_cast %swap3A_361 : vector<1x1x16xf32> to vector<16xf32>
        %swap3A_363 = vector.shape_cast %get3A_356 : vector<16xf32> to vector<1x1x16xf32>
        tpu.vector_store %arg11[%swap3A_358, %swap3A_359, %swap3A_360], %swap3A_363 {add = true, strides = array<i32>} : memref<2x128x128xf32, #tpu.memory_space<vmem>>, vector<1x1x16xf32>,
        %get3A_364 = arith.constant 0 : i32
        %get3A_365 = arith.index_cast %get3A_364 : i32 to index
        %get3A_366 = arith.index_cast %scan3A_324 : i32 to index
        %get3A_367 = arith.constant 48 : index
        %get3A_368 = tpu.vector_load %arg12[%get3A_365, %get3A_366, %get3A_367] {strides = array<i32>} : memref<2x128x128xf32, #tpu.memory_space<vmem>>, vector<1x1x16xf32>,
        %get3A_369 = vector.shape_cast %get3A_368 : vector<1x1x16xf32> to vector<16xf32>
        %swap3A_370 = arith.constant 0 : i32
        %swap3A_371 = arith.index_cast %swap3A_370 : i32 to index
        %swap3A_372 = arith.index_cast %scan3A_324 : i32 to index
        %swap3A_373 = arith.constant 48 : index
        %swap3A_374 = tpu.vector_load %arg11[%swap3A_371, %swap3A_372, %swap3A_373] {strides = array<i32>} : memref<2x128x128xf32, #tpu.memory_space<vmem>>, vector<1x1x16xf32>,
        %swap3A_375 = vector.shape_cast %swap3A_374 : vector<1x1x16xf32> to vector<16xf32>
        %swap3A_376 = vector.shape_cast %get3A_369 : vector<16xf32> to vector<1x1x16xf32>
        tpu.vector_store %arg11[%swap3A_371, %swap3A_372, %swap3A_373], %swap3A_376 {add = true, strides = array<i32>} : memref<2x128x128xf32, #tpu.memory_space<vmem>>, vector<1x1x16xf32>,
        %scan3A_377 = arith.constant 3 : i32
        %scan3A_378 = arith.addi %scan3A_218, %scan3A_377 : i32
        %get3A_379 = arith.constant 0 : i32
        %get3A_380 = arith.index_cast %get3A_379 : i32 to index
        %get3A_381 = arith.index_cast %scan3A_378 : i32 to index
        %get3A_382 = arith.constant 0 : index
        %get3A_383 = tpu.vector_load %arg12[%get3A_380, %get3A_381, %get3A_382] {strides = array<i32>} : memref<2x128x128xf32, #tpu.memory_space<vmem>>, vector<1x1x16xf32>,
        %get3A_384 = vector.shape_cast %get3A_383 : vector<1x1x16xf32> to vector<16xf32>
        %swap3A_385 = arith.constant 0 : i32
        %swap3A_386 = arith.index_cast %swap3A_385 : i32 to index
        %swap3A_387 = arith.index_cast %scan3A_378 : i32 to index
        %swap3A_388 = arith.constant 0 : index
        %swap3A_389 = tpu.vector_load %arg11[%swap3A_386, %swap3A_387, %swap3A_388] {strides = array<i32>} : memref<2x128x128xf32, #tpu.memory_space<vmem>>, vector<1x1x16xf32>,
        %swap3A_390 = vector.shape_cast %swap3A_389 : vector<1x1x16xf32> to vector<16xf32>
        %swap3A_391 = vector.shape_cast %get3A_384 : vector<16xf32> to vector<1x1x16xf32>
        tpu.vector_store %arg11[%swap3A_386, %swap3A_387, %swap3A_388], %swap3A_391 {add = true, strides = array<i32>} : memref<2x128x128xf32, #tpu.memory_space<vmem>>, vector<1x1x16xf32>,
        %get3A_392 = arith.constant 0 : i32
        %get3A_393 = arith.index_cast %get3A_392 : i32 to index
        %get3A_394 = arith.index_cast %scan3A_378 : i32 to index
        %get3A_395 = arith.constant 16 : index
        %get3A_396 = tpu.vector_load %arg12[%get3A_393, %get3A_394, %get3A_395] {strides = array<i32>} : memref<2x128x128xf32, #tpu.memory_space<vmem>>, vector<1x1x16xf32>,
        %get3A_397 = vector.shape_cast %get3A_396 : vector<1x1x16xf32> to vector<16xf32>
        %swap3A_398 = arith.constant 0 : i32
        %swap3A_399 = arith.index_cast %swap3A_398 : i32 to index
        %swap3A_400 = arith.index_cast %scan3A_378 : i32 to index
        %swap3A_401 = arith.constant 16 : index
        %swap3A_402 = tpu.vector_load %arg11[%swap3A_399, %swap3A_400, %swap3A_401] {strides = array<i32>} : memref<2x128x128xf32, #tpu.memory_space<vmem>>, vector<1x1x16xf32>,
        %swap3A_403 = vector.shape_cast %swap3A_402 : vector<1x1x16xf32> to vector<16xf32>
        %swap3A_404 = vector.shape_cast %get3A_397 : vector<16xf32> to vector<1x1x16xf32>
        tpu.vector_store %arg11[%swap3A_399, %swap3A_400, %swap3A_401], %swap3A_404 {add = true, strides = array<i32>} : memref<2x128x128xf32, #tpu.memory_space<vmem>>, vector<1x1x16xf32>,
        %get3A_405 = arith.constant 0 : i32
        %get3A_406 = arith.index_cast %get3A_405 : i32 to index
        %get3A_407 = arith.index_cast %scan3A_378 : i32 to index
        %get3A_408 = arith.constant 32 : index
        %get3A_409 = tpu.vector_load %arg12[%get3A_406, %get3A_407, %get3A_408] {strides = array<i32>} : memref<2x128x128xf32, #tpu.memory_space<vmem>>, vector<1x1x16xf32>,
        %get3A_410 = vector.shape_cast %get3A_409 : vector<1x1x16xf32> to vector<16xf32>
        %swap3A_411 = arith.constant 0 : i32
        %swap3A_412 = arith.index_cast %swap3A_411 : i32 to index
        %swap3A_413 = arith.index_cast %scan3A_378 : i32 to index
        %swap3A_414 = arith.constant 32 : index
        %swap3A_415 = tpu.vector_load %arg11[%swap3A_412, %swap3A_413, %swap3A_414] {strides = array<i32>} : memref<2x128x128xf32, #tpu.memory_space<vmem>>, vector<1x1x16xf32>,
        %swap3A_416 = vector.shape_cast %swap3A_415 : vector<1x1x16xf32> to vector<16xf32>
        %swap3A_417 = vector.shape_cast %get3A_410 : vector<16xf32> to vector<1x1x16xf32>
        tpu.vector_store %arg11[%swap3A_412, %swap3A_413, %swap3A_414], %swap3A_417 {add = true, strides = array<i32>} : memref<2x128x128xf32, #tpu.memory_space<vmem>>, vector<1x1x16xf32>,
        %get3A_418 = arith.constant 0 : i32
        %get3A_419 = arith.index_cast %get3A_418 : i32 to index
        %get3A_420 = arith.index_cast %scan3A_378 : i32 to index
        %get3A_421 = arith.constant 48 : index
        %get3A_422 = tpu.vector_load %arg12[%get3A_419, %get3A_420, %get3A_421] {strides = array<i32>} : memref<2x128x128xf32, #tpu.memory_space<vmem>>, vector<1x1x16xf32>,
        %get3A_423 = vector.shape_cast %get3A_422 : vector<1x1x16xf32> to vector<16xf32>
        %swap3A_424 = arith.constant 0 : i32
        %swap3A_425 = arith.index_cast %swap3A_424 : i32 to index
        %swap3A_426 = arith.index_cast %scan3A_378 : i32 to index
        %swap3A_427 = arith.constant 48 : index
        %swap3A_428 = tpu.vector_load %arg11[%swap3A_425, %swap3A_426, %swap3A_427] {strides = array<i32>} : memref<2x128x128xf32, #tpu.memory_space<vmem>>, vector<1x1x16xf32>,
        %swap3A_429 = vector.shape_cast %swap3A_428 : vector<1x1x16xf32> to vector<16xf32>
        %swap3A_430 = vector.shape_cast %get3A_423 : vector<16xf32> to vector<1x1x16xf32>
        tpu.vector_store %arg11[%swap3A_425, %swap3A_426, %swap3A_427], %swap3A_430 {add = true, strides = array<i32>} : memref<2x128x128xf32, #tpu.memory_space<vmem>>, vector<1x1x16xf32>,
      }
      %scan3A_127 = arith.constant 128 : i32
      %mul3A_128 = arith.constant 25600 : i32
      %mul3A_129 = arith.muli %add3A, %mul3A_128 : i32
      %mul3A_130 = arith.constant 128 : i32
      %mul3A_131 = arith.muli %mul3A_80, %mul3A_130 : i32
      %add3A_132 = arith.addi %mul3A_129, %mul3A_131 : i32
      %dma_start3A_133 = arith.constant 0 : i32
      %dma_start3A_134 = arith.constant 0 : i32
      %dma_start3A_135 = arith.constant 0 : i32
      %dma_start3A_136 = tpu.memref_slice %arg11[%dma_start3A_133, %dma_start3A_134, %dma_start3A_135] : memref<2x128x128xf32, #tpu.memory_space<vmem>> -> memref<1x128x128xf32, #tpu.memory_space<vmem>>
      %dma_start3A_137 = tpu.memref_squeeze %dma_start3A_136 : memref<1x128x128xf32, #tpu.memory_space<vmem>> -> memref<128x128xf32, #tpu.memory_space<vmem>>
      %dma_start3A_138 = arith.constant 0 : i32
      %dma_start3A_139 = tpu.memref_slice %arg6[%add3A_132, %dma_start3A_138] : memref<819200x128xf32, #tpu.memory_space<hbm>> -> memref<128x128xf32, #tpu.memory_space<hbm>>
      %dma_start3A_140 = arith.constant 0 : i32
      %dma_start3A_141 = tpu.memref_slice %arg6[%add3A_132, %dma_start3A_140] : memref<819200x128xf32, #tpu.memory_space<hbm>> -> memref<128x128xf32, #tpu.memory_space<hbm>>
      %dma_start3A_142 = arith.constant 0 : i32
      %dma_start3A_143 = arith.constant 0 : i32
      %dma_start3A_144 = tpu.memref_slice %arg11[%dma_start3A_133, %dma_start3A_142, %dma_start3A_143] : memref<2x128x128xf32, #tpu.memory_space<vmem>> -> memref<1x128x128xf32, #tpu.memory_space<vmem>>
      %dma_start3A_145 = tpu.memref_squeeze %dma_start3A_144 : memref<1x128x128xf32, #tpu.memory_space<vmem>> -> memref<128x128xf32, #tpu.memory_space<vmem>>
      tpu.enqueue_dma source(%dma_start3A_145 : memref<128x128xf32, #tpu.memory_space<vmem>>) target(%dma_start3A_141 : memref<128x128xf32, #tpu.memory_space<hbm>>) target_semaphore(%arg17 : memref<!tpu.dma_semaphore, #tpu.memory_space<semaphore_mem>>)
      %mul3A_146 = arith.constant 2 : i32
      %mul3A_147 = arith.muli %mul3A_146, %scan3A_78 : i32
      %add3A_148 = arith.constant 1 : i32
      %add3A_149 = arith.addi %mul3A_147, %add3A_148 : i32
      %add3A_150 = arith.constant 1 : i32
      %add3A_151 = arith.addi %add3A_149, %add3A_150 : i32
      %lt3A_152 = arith.constant 200 : i32
      %lt3A_153 = arith.cmpi slt, %add3A_151, %lt3A_152 : i32
      %convert_element_type3A_154 = arith.extui %lt3A_153 : i1 to i32
      %cond3A_155 = arith.constant 0 : i32
      %cond3A_156 = arith.cmpi ne, %convert_element_type3A_154, %cond3A_155 : i32
      scf.if %cond3A_156 {
        %dma_wait3A_218 = arith.constant 0 : i32
        %dma_wait3A_219 = tpu.memref_slice %arg2[%dma_wait3A_218] : memref<819200xi32, #tpu.memory_space<hbm>> -> memref<128xi32, #tpu.memory_space<hbm>>
        %dma_wait3A_220 = arith.constant 0 : i32
        %dma_wait3A_221 = tpu.memref_slice %arg2[%dma_wait3A_220] : memref<819200xi32, #tpu.memory_space<hbm>> -> memref<128xi32, #tpu.memory_space<hbm>>
        tpu.wait_dma2 semaphore(%arg13 : memref<!tpu.dma_semaphore, #tpu.memory_space<semaphore_mem>>) src(%dma_wait3A_221 : memref<128xi32, #tpu.memory_space<hbm>>) dst(%arg7 : memref<128xi32, #tpu.memory_space<vmem>>)
        %dma_wait3A_222 = arith.constant 0 : i32
        %dma_wait3A_223 = tpu.memref_slice %arg3[%dma_wait3A_222] : memref<819200xi32, #tpu.memory_space<hbm>> -> memref<128xi32, #tpu.memory_space<hbm>>
        %dma_wait3A_224 = arith.constant 0 : i32
        %dma_wait3A_225 = tpu.memref_slice %arg3[%dma_wait3A_224] : memref<819200xi32, #tpu.memory_space<hbm>> -> memref<128xi32, #tpu.memory_space<hbm>>
        tpu.wait_dma2 semaphore(%arg13 : memref<!tpu.dma_semaphore, #tpu.memory_space<semaphore_mem>>) src(%dma_wait3A_225 : memref<128xi32, #tpu.memory_space<hbm>>) dst(%arg9 : memref<128xi32, #tpu.memory_space<vmem>>)
        %ge3A = arith.constant 1 : i32
        %ge3A_226 = arith.cmpi sge, %add3A_149, %ge3A : i32
        %convert_element_type3A_227 = arith.extui %ge3A_226 : i1 to i32
        %cond3A_228 = arith.constant 0 : i32
        %cond3A_229 = arith.cmpi ne, %convert_element_type3A_227, %cond3A_228 : i32
        scf.if %cond3A_229 {
          %dma_wait3A_250 = arith.constant 0 : i32
          %dma_wait3A_251 = arith.constant 0 : i32
          %dma_wait3A_252 = arith.constant 0 : i32
          %dma_wait3A_253 = tpu.memref_slice %arg11[%dma_wait3A_250, %dma_wait3A_251, %dma_wait3A_252] : memref<2x128x128xf32, #tpu.memory_space<vmem>> -> memref<1x128x128xf32, #tpu.memory_space<vmem>>
          %dma_wait3A_254 = tpu.memref_squeeze %dma_wait3A_253 : memref<1x128x128xf32, #tpu.memory_space<vmem>> -> memref<128x128xf32, #tpu.memory_space<vmem>>
          %dma_wait3A_255 = arith.constant 0 : i32
          %dma_wait3A_256 = arith.constant 0 : i32
          %dma_wait3A_257 = tpu.memref_slice %arg6[%dma_wait3A_255, %dma_wait3A_256] : memref<819200x128xf32, #tpu.memory_space<hbm>> -> memref<128x128xf32, #tpu.memory_space<hbm>>
          %dma_wait3A_258 = arith.constant 0 : i32
          %dma_wait3A_259 = arith.constant 0 : i32
          %dma_wait3A_260 = tpu.memref_slice %arg6[%dma_wait3A_258, %dma_wait3A_259] : memref<819200x128xf32, #tpu.memory_space<hbm>> -> memref<128x128xf32, #tpu.memory_space<hbm>>
          %dma_wait3A_261 = arith.constant 0 : i32
          %dma_wait3A_262 = arith.constant 0 : i32
          %dma_wait3A_263 = tpu.memref_slice %arg11[%dma_wait3A_250, %dma_wait3A_261, %dma_wait3A_262] : memref<2x128x128xf32, #tpu.memory_space<vmem>> -> memref<1x128x128xf32, #tpu.memory_space<vmem>>
          %dma_wait3A_264 = tpu.memref_squeeze %dma_wait3A_263 : memref<1x128x128xf32, #tpu.memory_space<vmem>> -> memref<128x128xf32, #tpu.memory_space<vmem>>
          tpu.wait_dma2 semaphore(%arg17 : memref<!tpu.dma_semaphore, #tpu.memory_space<semaphore_mem>>) src(%dma_wait3A_264 : memref<128x128xf32, #tpu.memory_space<vmem>>) dst(%dma_wait3A_260 : memref<128x128xf32, #tpu.memory_space<hbm>>)
        } else {
        }
        %dma_start3A_230 = arith.constant 0 : i32
        %dma_start3A_231 = arith.constant 0 : i32
        %dma_start3A_232 = arith.constant 0 : i32
        %dma_start3A_233 = tpu.memref_slice %arg11[%dma_start3A_230, %dma_start3A_231, %dma_start3A_232] : memref<2x128x128xf32, #tpu.memory_space<vmem>> -> memref<1x128x128xf32, #tpu.memory_space<vmem>>
        %dma_start3A_234 = tpu.memref_squeeze %dma_start3A_233 : memref<1x128x128xf32, #tpu.memory_space<vmem>> -> memref<128x128xf32, #tpu.memory_space<vmem>>
        %dma_start3A_235 = arith.constant 0 : i32
        %dma_start3A_236 = tpu.memref_slice %arg7[%dma_start3A_235] : memref<128xi32, #tpu.memory_space<vmem>> -> memref<128xi32, #tpu.memory_space<vmem>>
        %dma_start3A_237 = arith.constant 0 : i32
        %dma_start3A_238 = arith.constant 0 : i32
        %dma_start3A_239 = tpu.memref_slice %arg4[%dma_start3A_237, %dma_start3A_238] : memref<100000x128xf32, #tpu.memory_space<hbm>> -> memref<100000x128xf32, #tpu.memory_space<hbm>>
        tpu.enqueue_indirect_dma source(%dma_start3A_239 : memref<100000x128xf32, #tpu.memory_space<hbm>>) target(%dma_start3A_234 : memref<128x128xf32, #tpu.memory_space<vmem>>) offsets(%dma_start3A_236 : memref<128xi32, #tpu.memory_space<vmem>>) semaphore(%arg15 : memref<!tpu.dma_semaphore, #tpu.memory_space<semaphore_mem>>)
        %dma_start3A_240 = arith.constant 0 : i32
        %dma_start3A_241 = arith.constant 0 : i32
        %dma_start3A_242 = arith.constant 0 : i32
        %dma_start3A_243 = tpu.memref_slice %arg12[%dma_start3A_240, %dma_start3A_241, %dma_start3A_242] : memref<2x128x128xf32, #tpu.memory_space<vmem>> -> memref<1x128x128xf32, #tpu.memory_space<vmem>>
        %dma_start3A_244 = tpu.memref_squeeze %dma_start3A_243 : memref<1x128x128xf32, #tpu.memory_space<vmem>> -> memref<128x128xf32, #tpu.memory_space<vmem>>
        %dma_start3A_245 = arith.constant 0 : i32
        %dma_start3A_246 = tpu.memref_slice %arg9[%dma_start3A_245] : memref<128xi32, #tpu.memory_space<vmem>> -> memref<128xi32, #tpu.memory_space<vmem>>
        %dma_start3A_247 = arith.constant 0 : i32
        %dma_start3A_248 = arith.constant 0 : i32
        %dma_start3A_249 = tpu.memref_slice %arg5[%dma_start3A_247, %dma_start3A_248] : memref<400x128xf32, #tpu.memory_space<hbm>> -> memref<400x128xf32, #tpu.memory_space<hbm>>
        tpu.enqueue_indirect_dma source(%dma_start3A_249 : memref<400x128xf32, #tpu.memory_space<hbm>>) target(%dma_start3A_244 : memref<128x128xf32, #tpu.memory_space<vmem>>) offsets(%dma_start3A_246 : memref<128xi32, #tpu.memory_space<vmem>>) semaphore(%arg15 : memref<!tpu.dma_semaphore, #tpu.memory_space<semaphore_mem>>)
      } else {
      }
      %dma_wait3A_157 = arith.constant 1 : i32
      %dma_wait3A_158 = arith.constant 0 : i32
      %dma_wait3A_159 = arith.constant 0 : i32
      %dma_wait3A_160 = tpu.memref_slice %arg11[%dma_wait3A_157, %dma_wait3A_158, %dma_wait3A_159] : memref<2x128x128xf32, #tpu.memory_space<vmem>> -> memref<1x128x128xf32, #tpu.memory_space<vmem>>
      %dma_wait3A_161 = tpu.memref_squeeze %dma_wait3A_160 : memref<1x128x128xf32, #tpu.memory_space<vmem>> -> memref<128x128xf32, #tpu.memory_space<vmem>>
      %dma_wait3A_162 = arith.constant 0 : i32
      %dma_wait3A_163 = arith.constant 0 : i32
      %dma_wait3A_164 = tpu.memref_slice %arg4[%dma_wait3A_162, %dma_wait3A_163] : memref<100000x128xf32, #tpu.memory_space<hbm>> -> memref<128x128xf32, #tpu.memory_space<hbm>>
      %dma_wait3A_165 = arith.constant 0 : i32
      %dma_wait3A_166 = arith.constant 0 : i32
      %dma_wait3A_167 = tpu.memref_slice %arg11[%dma_wait3A_157, %dma_wait3A_165, %dma_wait3A_166] : memref<2x128x128xf32, #tpu.memory_space<vmem>> -> memref<1x128x128xf32, #tpu.memory_space<vmem>>
      %dma_wait3A_168 = tpu.memref_squeeze %dma_wait3A_167 : memref<1x128x128xf32, #tpu.memory_space<vmem>> -> memref<128x128xf32, #tpu.memory_space<vmem>>
      %dma_wait3A_169 = arith.constant 0 : i32
      %dma_wait3A_170 = arith.constant 0 : i32
      %dma_wait3A_171 = tpu.memref_slice %arg4[%dma_wait3A_169, %dma_wait3A_170] : memref<100000x128xf32, #tpu.memory_space<hbm>> -> memref<128x128xf32, #tpu.memory_space<hbm>>
      tpu.wait_dma2 semaphore(%arg16 : memref<!tpu.dma_semaphore, #tpu.memory_space<semaphore_mem>>) src(%dma_wait3A_171 : memref<128x128xf32, #tpu.memory_space<hbm>>) dst(%dma_wait3A_168 : memref<128x128xf32, #tpu.memory_space<vmem>>)
      %dma_wait3A_172 = arith.constant 1 : i32
      %dma_wait3A_173 = arith.constant 0 : i32
      %dma_wait3A_174 = arith.constant 0 : i32
      %dma_wait3A_175 = tpu.memref_slice %arg12[%dma_wait3A_172, %dma_wait3A_173, %dma_wait3A_174] : memref<2x128x128xf32, #tpu.memory_space<vmem>> -> memref<1x128x128xf32, #tpu.memory_space<vmem>>
      %dma_wait3A_176 = tpu.memref_squeeze %dma_wait3A_175 : memref<1x128x128xf32, #tpu.memory_space<vmem>> -> memref<128x128xf32, #tpu.memory_space<vmem>>
      %dma_wait3A_177 = arith.constant 0 : i32
      %dma_wait3A_178 = arith.constant 0 : i32
      %dma_wait3A_179 = tpu.memref_slice %arg5[%dma_wait3A_177, %dma_wait3A_178] : memref<400x128xf32, #tpu.memory_space<hbm>> -> memref<128x128xf32, #tpu.memory_space<hbm>>
      %dma_wait3A_180 = arith.constant 0 : i32
      %dma_wait3A_181 = arith.constant 0 : i32
      %dma_wait3A_182 = tpu.memref_slice %arg12[%dma_wait3A_172, %dma_wait3A_180, %dma_wait3A_181] : memref<2x128x128xf32, #tpu.memory_space<vmem>> -> memref<1x128x128xf32, #tpu.memory_space<vmem>>
      %dma_wait3A_183 = tpu.memref_squeeze %dma_wait3A_182 : memref<1x128x128xf32, #tpu.memory_space<vmem>> -> memref<128x128xf32, #tpu.memory_space<vmem>>
      %dma_wait3A_184 = arith.constant 0 : i32
      %dma_wait3A_185 = arith.constant 0 : i32
      %dma_wait3A_186 = tpu.memref_slice %arg5[%dma_wait3A_184, %dma_wait3A_185] : memref<400x128xf32, #tpu.memory_space<hbm>> -> memref<128x128xf32, #tpu.memory_space<hbm>>
      tpu.wait_dma2 semaphore(%arg16 : memref<!tpu.dma_semaphore, #tpu.memory_space<semaphore_mem>>) src(%dma_wait3A_186 : memref<128x128xf32, #tpu.memory_space<hbm>>) dst(%dma_wait3A_183 : memref<128x128xf32, #tpu.memory_space<vmem>>)
      %add3A_187 = arith.constant 2 : i32
      %add3A_188 = arith.addi %add3A_149, %add3A_187 : i32
      %lt3A_189 = arith.constant 200 : i32
      %lt3A_190 = arith.cmpi slt, %add3A_188, %lt3A_189 : i32
      %convert_element_type3A_191 = arith.extui %lt3A_190 : i1 to i32
      %cond3A_192 = arith.constant 0 : i32
      %cond3A_193 = arith.cmpi ne, %convert_element_type3A_191, %cond3A_192 : i32
      scf.if %cond3A_193 {
        %add3A_218 = arith.constant 2 : i32
        %add3A_219 = arith.addi %add3A_149, %add3A_218 : i32
        %mul3A_220 = arith.constant 25600 : i32
        %mul3A_221 = arith.muli %add3A, %mul3A_220 : i32
        %mul3A_222 = arith.constant 128 : i32
        %mul3A_223 = arith.muli %add3A_219, %mul3A_222 : i32
        %add3A_224 = arith.addi %mul3A_221, %mul3A_223 : i32
        %dma_start3A_225 = tpu.memref_slice %arg2[%add3A_224] : memref<819200xi32, #tpu.memory_space<hbm>> -> memref<128xi32, #tpu.memory_space<hbm>>
        %dma_start3A_226 = tpu.memref_slice %arg2[%add3A_224] : memref<819200xi32, #tpu.memory_space<hbm>> -> memref<128xi32, #tpu.memory_space<hbm>>
        tpu.enqueue_dma source(%dma_start3A_226 : memref<128xi32, #tpu.memory_space<hbm>>) target(%arg8 : memref<128xi32, #tpu.memory_space<vmem>>) target_semaphore(%arg14 : memref<!tpu.dma_semaphore, #tpu.memory_space<semaphore_mem>>)
        %dma_start3A_227 = tpu.memref_slice %arg3[%add3A_224] : memref<819200xi32, #tpu.memory_space<hbm>> -> memref<128xi32, #tpu.memory_space<hbm>>
        %dma_start3A_228 = tpu.memref_slice %arg3[%add3A_224] : memref<819200xi32, #tpu.memory_space<hbm>> -> memref<128xi32, #tpu.memory_space<hbm>>
        tpu.enqueue_dma source(%dma_start3A_228 : memref<128xi32, #tpu.memory_space<hbm>>) target(%arg10 : memref<128xi32, #tpu.memory_space<vmem>>) target_semaphore(%arg14 : memref<!tpu.dma_semaphore, #tpu.memory_space<semaphore_mem>>)
      } else {
      }
      %scan3A_194 = arith.constant 0 : i32
      %scan3A_195 = arith.constant 0 : i32
      %scan3A_196 = arith.constant 128 : i32
      %scan3A_197 = arith.addi %scan3A_195, %scan3A_196 : i32
      %scan3A_198 = arith.constant 4 : i32
      scf.for %scan3A_218 = %scan3A_195 to %scan3A_197 step %scan3A_198  : i32 {
        %get3A = arith.constant 1 : i32
        %get3A_219 = arith.index_cast %get3A : i32 to index
        %get3A_220 = arith.index_cast %scan3A_218 : i32 to index
        %get3A_221 = arith.constant 0 : index
        %get3A_222 = tpu.vector_load %arg12[%get3A_219, %get3A_220, %get3A_221] {strides = array<i32>} : memref<2x128x128xf32, #tpu.memory_space<vmem>>, vector<1x1x16xf32>,
        %get3A_223 = vector.shape_cast %get3A_222 : vector<1x1x16xf32> to vector<16xf32>
        %swap3A = arith.constant 1 : i32
        %swap3A_224 = arith.index_cast %swap3A : i32 to index
        %swap3A_225 = arith.index_cast %scan3A_218 : i32 to index
        %swap3A_226 = arith.constant 0 : index
        %swap3A_227 = tpu.vector_load %arg11[%swap3A_224, %swap3A_225, %swap3A_226] {strides = array<i32>} : memref<2x128x128xf32, #tpu.memory_space<vmem>>, vector<1x1x16xf32>,
        %swap3A_228 = vector.shape_cast %swap3A_227 : vector<1x1x16xf32> to vector<16xf32>
        %swap3A_229 = vector.shape_cast %get3A_223 : vector<16xf32> to vector<1x1x16xf32>
        tpu.vector_store %arg11[%swap3A_224, %swap3A_225, %swap3A_226], %swap3A_229 {add = true, strides = array<i32>} : memref<2x128x128xf32, #tpu.memory_space<vmem>>, vector<1x1x16xf32>,
        %get3A_230 = arith.constant 1 : i32
        %get3A_231 = arith.index_cast %get3A_230 : i32 to index
        %get3A_232 = arith.index_cast %scan3A_218 : i32 to index
        %get3A_233 = arith.constant 16 : index
        %get3A_234 = tpu.vector_load %arg12[%get3A_231, %get3A_232, %get3A_233] {strides = array<i32>} : memref<2x128x128xf32, #tpu.memory_space<vmem>>, vector<1x1x16xf32>,
        %get3A_235 = vector.shape_cast %get3A_234 : vector<1x1x16xf32> to vector<16xf32>
        %swap3A_236 = arith.constant 1 : i32
        %swap3A_237 = arith.index_cast %swap3A_236 : i32 to index
        %swap3A_238 = arith.index_cast %scan3A_218 : i32 to index
        %swap3A_239 = arith.constant 16 : index
        %swap3A_240 = tpu.vector_load %arg11[%swap3A_237, %swap3A_238, %swap3A_239] {strides = array<i32>} : memref<2x128x128xf32, #tpu.memory_space<vmem>>, vector<1x1x16xf32>,
        %swap3A_241 = vector.shape_cast %swap3A_240 : vector<1x1x16xf32> to vector<16xf32>
        %swap3A_242 = vector.shape_cast %get3A_235 : vector<16xf32> to vector<1x1x16xf32>
        tpu.vector_store %arg11[%swap3A_237, %swap3A_238, %swap3A_239], %swap3A_242 {add = true, strides = array<i32>} : memref<2x128x128xf32, #tpu.memory_space<vmem>>, vector<1x1x16xf32>,
        %get3A_243 = arith.constant 1 : i32
        %get3A_244 = arith.index_cast %get3A_243 : i32 to index
        %get3A_245 = arith.index_cast %scan3A_218 : i32 to index
        %get3A_246 = arith.constant 32 : index
        %get3A_247 = tpu.vector_load %arg12[%get3A_244, %get3A_245, %get3A_246] {strides = array<i32>} : memref<2x128x128xf32, #tpu.memory_space<vmem>>, vector<1x1x16xf32>,
        %get3A_248 = vector.shape_cast %get3A_247 : vector<1x1x16xf32> to vector<16xf32>
        %swap3A_249 = arith.constant 1 : i32
        %swap3A_250 = arith.index_cast %swap3A_249 : i32 to index
        %swap3A_251 = arith.index_cast %scan3A_218 : i32 to index
        %swap3A_252 = arith.constant 32 : index
        %swap3A_253 = tpu.vector_load %arg11[%swap3A_250, %swap3A_251, %swap3A_252] {strides = array<i32>} : memref<2x128x128xf32, #tpu.memory_space<vmem>>, vector<1x1x16xf32>,
        %swap3A_254 = vector.shape_cast %swap3A_253 : vector<1x1x16xf32> to vector<16xf32>
        %swap3A_255 = vector.shape_cast %get3A_248 : vector<16xf32> to vector<1x1x16xf32>
        tpu.vector_store %arg11[%swap3A_250, %swap3A_251, %swap3A_252], %swap3A_255 {add = true, strides = array<i32>} : memref<2x128x128xf32, #tpu.memory_space<vmem>>, vector<1x1x16xf32>,
        %get3A_256 = arith.constant 1 : i32
        %get3A_257 = arith.index_cast %get3A_256 : i32 to index
        %get3A_258 = arith.index_cast %scan3A_218 : i32 to index
        %get3A_259 = arith.constant 48 : index
        %get3A_260 = tpu.vector_load %arg12[%get3A_257, %get3A_258, %get3A_259] {strides = array<i32>} : memref<2x128x128xf32, #tpu.memory_space<vmem>>, vector<1x1x16xf32>,
        %get3A_261 = vector.shape_cast %get3A_260 : vector<1x1x16xf32> to vector<16xf32>
        %swap3A_262 = arith.constant 1 : i32
        %swap3A_263 = arith.index_cast %swap3A_262 : i32 to index
        %swap3A_264 = arith.index_cast %scan3A_218 : i32 to index
        %swap3A_265 = arith.constant 48 : index
        %swap3A_266 = tpu.vector_load %arg11[%swap3A_263, %swap3A_264, %swap3A_265] {strides = array<i32>} : memref<2x128x128xf32, #tpu.memory_space<vmem>>, vector<1x1x16xf32>,
        %swap3A_267 = vector.shape_cast %swap3A_266 : vector<1x1x16xf32> to vector<16xf32>
        %swap3A_268 = vector.shape_cast %get3A_261 : vector<16xf32> to vector<1x1x16xf32>
        tpu.vector_store %arg11[%swap3A_263, %swap3A_264, %swap3A_265], %swap3A_268 {add = true, strides = array<i32>} : memref<2x128x128xf32, #tpu.memory_space<vmem>>, vector<1x1x16xf32>,
        %scan3A_269 = arith.constant 1 : i32
        %scan3A_270 = arith.addi %scan3A_218, %scan3A_269 : i32
        %get3A_271 = arith.constant 1 : i32
        %get3A_272 = arith.index_cast %get3A_271 : i32 to index
        %get3A_273 = arith.index_cast %scan3A_270 : i32 to index
        %get3A_274 = arith.constant 0 : index
        %get3A_275 = tpu.vector_load %arg12[%get3A_272, %get3A_273, %get3A_274] {strides = array<i32>} : memref<2x128x128xf32, #tpu.memory_space<vmem>>, vector<1x1x16xf32>,
        %get3A_276 = vector.shape_cast %get3A_275 : vector<1x1x16xf32> to vector<16xf32>
        %swap3A_277 = arith.constant 1 : i32
        %swap3A_278 = arith.index_cast %swap3A_277 : i32 to index
        %swap3A_279 = arith.index_cast %scan3A_270 : i32 to index
        %swap3A_280 = arith.constant 0 : index
        %swap3A_281 = tpu.vector_load %arg11[%swap3A_278, %swap3A_279, %swap3A_280] {strides = array<i32>} : memref<2x128x128xf32, #tpu.memory_space<vmem>>, vector<1x1x16xf32>,
        %swap3A_282 = vector.shape_cast %swap3A_281 : vector<1x1x16xf32> to vector<16xf32>
        %swap3A_283 = vector.shape_cast %get3A_276 : vector<16xf32> to vector<1x1x16xf32>
        tpu.vector_store %arg11[%swap3A_278, %swap3A_279, %swap3A_280], %swap3A_283 {add = true, strides = array<i32>} : memref<2x128x128xf32, #tpu.memory_space<vmem>>, vector<1x1x16xf32>,
        %get3A_284 = arith.constant 1 : i32
        %get3A_285 = arith.index_cast %get3A_284 : i32 to index
        %get3A_286 = arith.index_cast %scan3A_270 : i32 to index
        %get3A_287 = arith.constant 16 : index
        %get3A_288 = tpu.vector_load %arg12[%get3A_285, %get3A_286, %get3A_287] {strides = array<i32>} : memref<2x128x128xf32, #tpu.memory_space<vmem>>, vector<1x1x16xf32>,
        %get3A_289 = vector.shape_cast %get3A_288 : vector<1x1x16xf32> to vector<16xf32>
        %swap3A_290 = arith.constant 1 : i32
        %swap3A_291 = arith.index_cast %swap3A_290 : i32 to index
        %swap3A_292 = arith.index_cast %scan3A_270 : i32 to index
        %swap3A_293 = arith.constant 16 : index
        %swap3A_294 = tpu.vector_load %arg11[%swap3A_291, %swap3A_292, %swap3A_293] {strides = array<i32>} : memref<2x128x128xf32, #tpu.memory_space<vmem>>, vector<1x1x16xf32>,
        %swap3A_295 = vector.shape_cast %swap3A_294 : vector<1x1x16xf32> to vector<16xf32>
        %swap3A_296 = vector.shape_cast %get3A_289 : vector<16xf32> to vector<1x1x16xf32>
        tpu.vector_store %arg11[%swap3A_291, %swap3A_292, %swap3A_293], %swap3A_296 {add = true, strides = array<i32>} : memref<2x128x128xf32, #tpu.memory_space<vmem>>, vector<1x1x16xf32>,
        %get3A_297 = arith.constant 1 : i32
        %get3A_298 = arith.index_cast %get3A_297 : i32 to index
        %get3A_299 = arith.index_cast %scan3A_270 : i32 to index
        %get3A_300 = arith.constant 32 : index
        %get3A_301 = tpu.vector_load %arg12[%get3A_298, %get3A_299, %get3A_300] {strides = array<i32>} : memref<2x128x128xf32, #tpu.memory_space<vmem>>, vector<1x1x16xf32>,
        %get3A_302 = vector.shape_cast %get3A_301 : vector<1x1x16xf32> to vector<16xf32>
        %swap3A_303 = arith.constant 1 : i32
        %swap3A_304 = arith.index_cast %swap3A_303 : i32 to index
        %swap3A_305 = arith.index_cast %scan3A_270 : i32 to index
        %swap3A_306 = arith.constant 32 : index
        %swap3A_307 = tpu.vector_load %arg11[%swap3A_304, %swap3A_305, %swap3A_306] {strides = array<i32>} : memref<2x128x128xf32, #tpu.memory_space<vmem>>, vector<1x1x16xf32>,
        %swap3A_308 = vector.shape_cast %swap3A_307 : vector<1x1x16xf32> to vector<16xf32>
        %swap3A_309 = vector.shape_cast %get3A_302 : vector<16xf32> to vector<1x1x16xf32>
        tpu.vector_store %arg11[%swap3A_304, %swap3A_305, %swap3A_306], %swap3A_309 {add = true, strides = array<i32>} : memref<2x128x128xf32, #tpu.memory_space<vmem>>, vector<1x1x16xf32>,
        %get3A_310 = arith.constant 1 : i32
        %get3A_311 = arith.index_cast %get3A_310 : i32 to index
        %get3A_312 = arith.index_cast %scan3A_270 : i32 to index
        %get3A_313 = arith.constant 48 : index
        %get3A_314 = tpu.vector_load %arg12[%get3A_311, %get3A_312, %get3A_313] {strides = array<i32>} : memref<2x128x128xf32, #tpu.memory_space<vmem>>, vector<1x1x16xf32>,
        %get3A_315 = vector.shape_cast %get3A_314 : vector<1x1x16xf32> to vector<16xf32>
        %swap3A_316 = arith.constant 1 : i32
        %swap3A_317 = arith.index_cast %swap3A_316 : i32 to index
        %swap3A_318 = arith.index_cast %scan3A_270 : i32 to index
        %swap3A_319 = arith.constant 48 : index
        %swap3A_320 = tpu.vector_load %arg11[%swap3A_317, %swap3A_318, %swap3A_319] {strides = array<i32>} : memref<2x128x128xf32, #tpu.memory_space<vmem>>, vector<1x1x16xf32>,
        %swap3A_321 = vector.shape_cast %swap3A_320 : vector<1x1x16xf32> to vector<16xf32>
        %swap3A_322 = vector.shape_cast %get3A_315 : vector<16xf32> to vector<1x1x16xf32>
        tpu.vector_store %arg11[%swap3A_317, %swap3A_318, %swap3A_319], %swap3A_322 {add = true, strides = array<i32>} : memref<2x128x128xf32, #tpu.memory_space<vmem>>, vector<1x1x16xf32>,
        %scan3A_323 = arith.constant 2 : i32
        %scan3A_324 = arith.addi %scan3A_218, %scan3A_323 : i32
        %get3A_325 = arith.constant 1 : i32
        %get3A_326 = arith.index_cast %get3A_325 : i32 to index
        %get3A_327 = arith.index_cast %scan3A_324 : i32 to index
        %get3A_328 = arith.constant 0 : index
        %get3A_329 = tpu.vector_load %arg12[%get3A_326, %get3A_327, %get3A_328] {strides = array<i32>} : memref<2x128x128xf32, #tpu.memory_space<vmem>>, vector<1x1x16xf32>,
        %get3A_330 = vector.shape_cast %get3A_329 : vector<1x1x16xf32> to vector<16xf32>
        %swap3A_331 = arith.constant 1 : i32
        %swap3A_332 = arith.index_cast %swap3A_331 : i32 to index
        %swap3A_333 = arith.index_cast %scan3A_324 : i32 to index
        %swap3A_334 = arith.constant 0 : index
        %swap3A_335 = tpu.vector_load %arg11[%swap3A_332, %swap3A_333, %swap3A_334] {strides = array<i32>} : memref<2x128x128xf32, #tpu.memory_space<vmem>>, vector<1x1x16xf32>,
        %swap3A_336 = vector.shape_cast %swap3A_335 : vector<1x1x16xf32> to vector<16xf32>
        %swap3A_337 = vector.shape_cast %get3A_330 : vector<16xf32> to vector<1x1x16xf32>
        tpu.vector_store %arg11[%swap3A_332, %swap3A_333, %swap3A_334], %swap3A_337 {add = true, strides = array<i32>} : memref<2x128x128xf32, #tpu.memory_space<vmem>>, vector<1x1x16xf32>,
        %get3A_338 = arith.constant 1 : i32
        %get3A_339 = arith.index_cast %get3A_338 : i32 to index
        %get3A_340 = arith.index_cast %scan3A_324 : i32 to index
        %get3A_341 = arith.constant 16 : index
        %get3A_342 = tpu.vector_load %arg12[%get3A_339, %get3A_340, %get3A_341] {strides = array<i32>} : memref<2x128x128xf32, #tpu.memory_space<vmem>>, vector<1x1x16xf32>,
        %get3A_343 = vector.shape_cast %get3A_342 : vector<1x1x16xf32> to vector<16xf32>
        %swap3A_344 = arith.constant 1 : i32
        %swap3A_345 = arith.index_cast %swap3A_344 : i32 to index
        %swap3A_346 = arith.index_cast %scan3A_324 : i32 to index
        %swap3A_347 = arith.constant 16 : index
        %swap3A_348 = tpu.vector_load %arg11[%swap3A_345, %swap3A_346, %swap3A_347] {strides = array<i32>} : memref<2x128x128xf32, #tpu.memory_space<vmem>>, vector<1x1x16xf32>,
        %swap3A_349 = vector.shape_cast %swap3A_348 : vector<1x1x16xf32> to vector<16xf32>
        %swap3A_350 = vector.shape_cast %get3A_343 : vector<16xf32> to vector<1x1x16xf32>
        tpu.vector_store %arg11[%swap3A_345, %swap3A_346, %swap3A_347], %swap3A_350 {add = true, strides = array<i32>} : memref<2x128x128xf32, #tpu.memory_space<vmem>>, vector<1x1x16xf32>,
        %get3A_351 = arith.constant 1 : i32
        %get3A_352 = arith.index_cast %get3A_351 : i32 to index
        %get3A_353 = arith.index_cast %scan3A_324 : i32 to index
        %get3A_354 = arith.constant 32 : index
        %get3A_355 = tpu.vector_load %arg12[%get3A_352, %get3A_353, %get3A_354] {strides = array<i32>} : memref<2x128x128xf32, #tpu.memory_space<vmem>>, vector<1x1x16xf32>,
        %get3A_356 = vector.shape_cast %get3A_355 : vector<1x1x16xf32> to vector<16xf32>
        %swap3A_357 = arith.constant 1 : i32
        %swap3A_358 = arith.index_cast %swap3A_357 : i32 to index
        %swap3A_359 = arith.index_cast %scan3A_324 : i32 to index
        %swap3A_360 = arith.constant 32 : index
        %swap3A_361 = tpu.vector_load %arg11[%swap3A_358, %swap3A_359, %swap3A_360] {strides = array<i32>} : memref<2x128x128xf32, #tpu.memory_space<vmem>>, vector<1x1x16xf32>,
        %swap3A_362 = vector.shape_cast %swap3A_361 : vector<1x1x16xf32> to vector<16xf32>
        %swap3A_363 = vector.shape_cast %get3A_356 : vector<16xf32> to vector<1x1x16xf32>
        tpu.vector_store %arg11[%swap3A_358, %swap3A_359, %swap3A_360], %swap3A_363 {add = true, strides = array<i32>} : memref<2x128x128xf32, #tpu.memory_space<vmem>>, vector<1x1x16xf32>,
        %get3A_364 = arith.constant 1 : i32
        %get3A_365 = arith.index_cast %get3A_364 : i32 to index
        %get3A_366 = arith.index_cast %scan3A_324 : i32 to index
        %get3A_367 = arith.constant 48 : index
        %get3A_368 = tpu.vector_load %arg12[%get3A_365, %get3A_366, %get3A_367] {strides = array<i32>} : memref<2x128x128xf32, #tpu.memory_space<vmem>>, vector<1x1x16xf32>,
        %get3A_369 = vector.shape_cast %get3A_368 : vector<1x1x16xf32> to vector<16xf32>
        %swap3A_370 = arith.constant 1 : i32
        %swap3A_371 = arith.index_cast %swap3A_370 : i32 to index
        %swap3A_372 = arith.index_cast %scan3A_324 : i32 to index
        %swap3A_373 = arith.constant 48 : index
        %swap3A_374 = tpu.vector_load %arg11[%swap3A_371, %swap3A_372, %swap3A_373] {strides = array<i32>} : memref<2x128x128xf32, #tpu.memory_space<vmem>>, vector<1x1x16xf32>,
        %swap3A_375 = vector.shape_cast %swap3A_374 : vector<1x1x16xf32> to vector<16xf32>
        %swap3A_376 = vector.shape_cast %get3A_369 : vector<16xf32> to vector<1x1x16xf32>
        tpu.vector_store %arg11[%swap3A_371, %swap3A_372, %swap3A_373], %swap3A_376 {add = true, strides = array<i32>} : memref<2x128x128xf32, #tpu.memory_space<vmem>>, vector<1x1x16xf32>,
        %scan3A_377 = arith.constant 3 : i32
        %scan3A_378 = arith.addi %scan3A_218, %scan3A_377 : i32
        %get3A_379 = arith.constant 1 : i32
        %get3A_380 = arith.index_cast %get3A_379 : i32 to index
        %get3A_381 = arith.index_cast %scan3A_378 : i32 to index
        %get3A_382 = arith.constant 0 : index
        %get3A_383 = tpu.vector_load %arg12[%get3A_380, %get3A_381, %get3A_382] {strides = array<i32>} : memref<2x128x128xf32, #tpu.memory_space<vmem>>, vector<1x1x16xf32>,
        %get3A_384 = vector.shape_cast %get3A_383 : vector<1x1x16xf32> to vector<16xf32>
        %swap3A_385 = arith.constant 1 : i32
        %swap3A_386 = arith.index_cast %swap3A_385 : i32 to index
        %swap3A_387 = arith.index_cast %scan3A_378 : i32 to index
        %swap3A_388 = arith.constant 0 : index
        %swap3A_389 = tpu.vector_load %arg11[%swap3A_386, %swap3A_387, %swap3A_388] {strides = array<i32>} : memref<2x128x128xf32, #tpu.memory_space<vmem>>, vector<1x1x16xf32>,
        %swap3A_390 = vector.shape_cast %swap3A_389 : vector<1x1x16xf32> to vector<16xf32>
        %swap3A_391 = vector.shape_cast %get3A_384 : vector<16xf32> to vector<1x1x16xf32>
        tpu.vector_store %arg11[%swap3A_386, %swap3A_387, %swap3A_388], %swap3A_391 {add = true, strides = array<i32>} : memref<2x128x128xf32, #tpu.memory_space<vmem>>, vector<1x1x16xf32>,
        %get3A_392 = arith.constant 1 : i32
        %get3A_393 = arith.index_cast %get3A_392 : i32 to index
        %get3A_394 = arith.index_cast %scan3A_378 : i32 to index
        %get3A_395 = arith.constant 16 : index
        %get3A_396 = tpu.vector_load %arg12[%get3A_393, %get3A_394, %get3A_395] {strides = array<i32>} : memref<2x128x128xf32, #tpu.memory_space<vmem>>, vector<1x1x16xf32>,
        %get3A_397 = vector.shape_cast %get3A_396 : vector<1x1x16xf32> to vector<16xf32>
        %swap3A_398 = arith.constant 1 : i32
        %swap3A_399 = arith.index_cast %swap3A_398 : i32 to index
        %swap3A_400 = arith.index_cast %scan3A_378 : i32 to index
        %swap3A_401 = arith.constant 16 : index
        %swap3A_402 = tpu.vector_load %arg11[%swap3A_399, %swap3A_400, %swap3A_401] {strides = array<i32>} : memref<2x128x128xf32, #tpu.memory_space<vmem>>, vector<1x1x16xf32>,
        %swap3A_403 = vector.shape_cast %swap3A_402 : vector<1x1x16xf32> to vector<16xf32>
        %swap3A_404 = vector.shape_cast %get3A_397 : vector<16xf32> to vector<1x1x16xf32>
        tpu.vector_store %arg11[%swap3A_399, %swap3A_400, %swap3A_401], %swap3A_404 {add = true, strides = array<i32>} : memref<2x128x128xf32, #tpu.memory_space<vmem>>, vector<1x1x16xf32>,
        %get3A_405 = arith.constant 1 : i32
        %get3A_406 = arith.index_cast %get3A_405 : i32 to index
        %get3A_407 = arith.index_cast %scan3A_378 : i32 to index
        %get3A_408 = arith.constant 32 : index
        %get3A_409 = tpu.vector_load %arg12[%get3A_406, %get3A_407, %get3A_408] {strides = array<i32>} : memref<2x128x128xf32, #tpu.memory_space<vmem>>, vector<1x1x16xf32>,
        %get3A_410 = vector.shape_cast %get3A_409 : vector<1x1x16xf32> to vector<16xf32>
        %swap3A_411 = arith.constant 1 : i32
        %swap3A_412 = arith.index_cast %swap3A_411 : i32 to index
        %swap3A_413 = arith.index_cast %scan3A_378 : i32 to index
        %swap3A_414 = arith.constant 32 : index
        %swap3A_415 = tpu.vector_load %arg11[%swap3A_412, %swap3A_413, %swap3A_414] {strides = array<i32>} : memref<2x128x128xf32, #tpu.memory_space<vmem>>, vector<1x1x16xf32>,
        %swap3A_416 = vector.shape_cast %swap3A_415 : vector<1x1x16xf32> to vector<16xf32>
        %swap3A_417 = vector.shape_cast %get3A_410 : vector<16xf32> to vector<1x1x16xf32>
        tpu.vector_store %arg11[%swap3A_412, %swap3A_413, %swap3A_414], %swap3A_417 {add = true, strides = array<i32>} : memref<2x128x128xf32, #tpu.memory_space<vmem>>, vector<1x1x16xf32>,
        %get3A_418 = arith.constant 1 : i32
        %get3A_419 = arith.index_cast %get3A_418 : i32 to index
        %get3A_420 = arith.index_cast %scan3A_378 : i32 to index
        %get3A_421 = arith.constant 48 : index
        %get3A_422 = tpu.vector_load %arg12[%get3A_419, %get3A_420, %get3A_421] {strides = array<i32>} : memref<2x128x128xf32, #tpu.memory_space<vmem>>, vector<1x1x16xf32>,
        %get3A_423 = vector.shape_cast %get3A_422 : vector<1x1x16xf32> to vector<16xf32>
        %swap3A_424 = arith.constant 1 : i32
        %swap3A_425 = arith.index_cast %swap3A_424 : i32 to index
        %swap3A_426 = arith.index_cast %scan3A_378 : i32 to index
        %swap3A_427 = arith.constant 48 : index
        %swap3A_428 = tpu.vector_load %arg11[%swap3A_425, %swap3A_426, %swap3A_427] {strides = array<i32>} : memref<2x128x128xf32, #tpu.memory_space<vmem>>, vector<1x1x16xf32>,
        %swap3A_429 = vector.shape_cast %swap3A_428 : vector<1x1x16xf32> to vector<16xf32>
        %swap3A_430 = vector.shape_cast %get3A_423 : vector<16xf32> to vector<1x1x16xf32>
        tpu.vector_store %arg11[%swap3A_425, %swap3A_426, %swap3A_427], %swap3A_430 {add = true, strides = array<i32>} : memref<2x128x128xf32, #tpu.memory_space<vmem>>, vector<1x1x16xf32>,
      }
      %scan3A_199 = arith.constant 128 : i32
      %mul3A_200 = arith.constant 25600 : i32
      %mul3A_201 = arith.muli %add3A, %mul3A_200 : i32
      %mul3A_202 = arith.constant 128 : i32
      %mul3A_203 = arith.muli %add3A_149, %mul3A_202 : i32
      %add3A_204 = arith.addi %mul3A_201, %mul3A_203 : i32
      %dma_start3A_205 = arith.constant 1 : i32
      %dma_start3A_206 = arith.constant 0 : i32
      %dma_start3A_207 = arith.constant 0 : i32
      %dma_start3A_208 = tpu.memref_slice %arg11[%dma_start3A_205, %dma_start3A_206, %dma_start3A_207] : memref<2x128x128xf32, #tpu.memory_space<vmem>> -> memref<1x128x128xf32, #tpu.memory_space<vmem>>
      %dma_start3A_209 = tpu.memref_squeeze %dma_start3A_208 : memref<1x128x128xf32, #tpu.memory_space<vmem>> -> memref<128x128xf32, #tpu.memory_space<vmem>>
      %dma_start3A_210 = arith.constant 0 : i32
      %dma_start3A_211 = tpu.memref_slice %arg6[%add3A_204, %dma_start3A_210] : memref<819200x128xf32, #tpu.memory_space<hbm>> -> memref<128x128xf32, #tpu.memory_space<hbm>>
      %dma_start3A_212 = arith.constant 0 : i32
      %dma_start3A_213 = tpu.memref_slice %arg6[%add3A_204, %dma_start3A_212] : memref<819200x128xf32, #tpu.memory_space<hbm>> -> memref<128x128xf32, #tpu.memory_space<hbm>>
      %dma_start3A_214 = arith.constant 0 : i32
      %dma_start3A_215 = arith.constant 0 : i32
      %dma_start3A_216 = tpu.memref_slice %arg11[%dma_start3A_205, %dma_start3A_214, %dma_start3A_215] : memref<2x128x128xf32, #tpu.memory_space<vmem>> -> memref<1x128x128xf32, #tpu.memory_space<vmem>>
      %dma_start3A_217 = tpu.memref_squeeze %dma_start3A_216 : memref<1x128x128xf32, #tpu.memory_space<vmem>> -> memref<128x128xf32, #tpu.memory_space<vmem>>
      tpu.enqueue_dma source(%dma_start3A_217 : memref<128x128xf32, #tpu.memory_space<vmem>>) target(%dma_start3A_213 : memref<128x128xf32, #tpu.memory_space<hbm>>) target_semaphore(%arg18 : memref<!tpu.dma_semaphore, #tpu.memory_space<semaphore_mem>>)
    }
    %scan3A_47 = arith.constant 100 : i32
    %dma_wait3A_48 = arith.constant 0 : i32
    %dma_wait3A_49 = arith.constant 0 : i32
    %dma_wait3A_50 = arith.constant 0 : i32
    %dma_wait3A_51 = tpu.memref_slice %arg11[%dma_wait3A_48, %dma_wait3A_49, %dma_wait3A_50] : memref<2x128x128xf32, #tpu.memory_space<vmem>> -> memref<1x128x128xf32, #tpu.memory_space<vmem>>
    %dma_wait3A_52 = tpu.memref_squeeze %dma_wait3A_51 : memref<1x128x128xf32, #tpu.memory_space<vmem>> -> memref<128x128xf32, #tpu.memory_space<vmem>>
    %dma_wait3A_53 = arith.constant 0 : i32
    %dma_wait3A_54 = arith.constant 0 : i32
    %dma_wait3A_55 = tpu.memref_slice %arg6[%dma_wait3A_53, %dma_wait3A_54] : memref<819200x128xf32, #tpu.memory_space<hbm>> -> memref<128x128xf32, #tpu.memory_space<hbm>>
    %dma_wait3A_56 = arith.constant 0 : i32
    %dma_wait3A_57 = arith.constant 0 : i32
    %dma_wait3A_58 = tpu.memref_slice %arg6[%dma_wait3A_56, %dma_wait3A_57] : memref<819200x128xf32, #tpu.memory_space<hbm>> -> memref<128x128xf32, #tpu.memory_space<hbm>>
    %dma_wait3A_59 = arith.constant 0 : i32
    %dma_wait3A_60 = arith.constant 0 : i32
    %dma_wait3A_61 = tpu.memref_slice %arg11[%dma_wait3A_48, %dma_wait3A_59, %dma_wait3A_60] : memref<2x128x128xf32, #tpu.memory_space<vmem>> -> memref<1x128x128xf32, #tpu.memory_space<vmem>>
    %dma_wait3A_62 = tpu.memref_squeeze %dma_wait3A_61 : memref<1x128x128xf32, #tpu.memory_space<vmem>> -> memref<128x128xf32, #tpu.memory_space<vmem>>
    tpu.wait_dma2 semaphore(%arg17 : memref<!tpu.dma_semaphore, #tpu.memory_space<semaphore_mem>>) src(%dma_wait3A_62 : memref<128x128xf32, #tpu.memory_space<vmem>>) dst(%dma_wait3A_58 : memref<128x128xf32, #tpu.memory_space<hbm>>)
    %dma_wait3A_63 = arith.constant 1 : i32
    %dma_wait3A_64 = arith.constant 0 : i32
    %dma_wait3A_65 = arith.constant 0 : i32
    %dma_wait3A_66 = tpu.memref_slice %arg11[%dma_wait3A_63, %dma_wait3A_64, %dma_wait3A_65] : memref<2x128x128xf32, #tpu.memory_space<vmem>> -> memref<1x128x128xf32, #tpu.memory_space<vmem>>
    %dma_wait3A_67 = tpu.memref_squeeze %dma_wait3A_66 : memref<1x128x128xf32, #tpu.memory_space<vmem>> -> memref<128x128xf32, #tpu.memory_space<vmem>>
    %dma_wait3A_68 = arith.constant 0 : i32
    %dma_wait3A_69 = arith.constant 0 : i32
    %dma_wait3A_70 = tpu.memref_slice %arg6[%dma_wait3A_68, %dma_wait3A_69] : memref<819200x128xf32, #tpu.memory_space<hbm>> -> memref<128x128xf32, #tpu.memory_space<hbm>>
    %dma_wait3A_71 = arith.constant 0 : i32
    %dma_wait3A_72 = arith.constant 0 : i32
    %dma_wait3A_73 = tpu.memref_slice %arg6[%dma_wait3A_71, %dma_wait3A_72] : memref<819200x128xf32, #tpu.memory_space<hbm>> -> memref<128x128xf32, #tpu.memory_space<hbm>>
    %dma_wait3A_74 = arith.constant 0 : i32
    %dma_wait3A_75 = arith.constant 0 : i32
    %dma_wait3A_76 = tpu.memref_slice %arg11[%dma_wait3A_63, %dma_wait3A_74, %dma_wait3A_75] : memref<2x128x128xf32, #tpu.memory_space<vmem>> -> memref<1x128x128xf32, #tpu.memory_space<vmem>>
    %dma_wait3A_77 = tpu.memref_squeeze %dma_wait3A_76 : memref<1x128x128xf32, #tpu.memory_space<vmem>> -> memref<128x128xf32, #tpu.memory_space<vmem>>
    tpu.wait_dma2 semaphore(%arg18 : memref<!tpu.dma_semaphore, #tpu.memory_space<semaphore_mem>>) src(%dma_wait3A_77 : memref<128x128xf32, #tpu.memory_space<vmem>>) dst(%dma_wait3A_73 : memref<128x128xf32, #tpu.memory_space<hbm>>)
    return
  }
}

</mosaic_0001>

<sc_bundles>
// kernel: _launch.3.cloned.1.call-start
scs
__scs_entry_jumppad:
0x0: {  	(pc) =	sbr.rel $0x88, $3  }
0x1: {  	(tag) =	ssettag $0x0;
	lr =	simm.s32 $0x1  }
0x2: {  	[smem:$0x3F9D] =	sst lr;
	_ =	strace $0xD0000000  }
0x3: {  	_ = 	snop  }
0x4: {  	_ = 	snop  }
0x5: {  	_ = 	snop  }
0x6: {  	_ = 	snop  }
0x7: {  	_ = 	snop  }
__scs_overlays_trampoline_lowered:
0x8: {  	[smem:$0x3FAC] =	sst s0  }
0x9: {  	[smem:$0x3FAD] =	sst s1  }
0xa: {  	[smem:$0x3FAE] =	sst s2  }
0xb: {  	[smem:$0x3FAF] =	sst s3  }
0xc: {  	[smem:$0x3FB0] =	sst s4  }
0xd: {  	[smem:$0x3FB1] =	sst s5  }
0xe: {  	[smem:$0x3FB2] =	sst s6  }
0xf: {  	[smem:$0x3FB3] =	sst s7  }
0x10: {  	[smem:$0x3FB4] =	sst s8  }
0x11: {  	[smem:$0x3FB5] =	sst s9;
	s0 =	simm.s32 @!p0 $0x0  }
0x12: {  	s1 =	sld [smem:$0x3F9B];
	s0 =	simm.s32 @p0 $0x1  }
0x13: {  	[smem:$0x3FB6] =	sst s0;
	s0 =	simm.s32 @!p1 $0x0  }
0x14: {  	s2 =	sld [smem:$0x3F9A];
	s0 =	simm.s32 @p1 $0x1  }
0x15: {  	[smem:$0x3FB7] =	sst s0;
	s0 =	simm.s32 @!p2 $0x0  }
0x16: {  	s3 =	sld [smem:$0x3FDB];
	s0 =	simm.s32 @p2 $0x1  }
0x17: {  	s4 =	simm.s32 $0x1BF5;
	[smem:$0x3FB9] =	sst s0  }
0x18: {  	s0 =	sld [smem:$0x3F9C];
	_ =	swait.ge [sflag:s4], $0x0  }
0x19: {  	s7 =	sld [smem:$0x3F9D]  }
0x1a: {  	s8 =	sadd.s32 $0xFFFFE003, lr  }
0x1b: {  	s9 =	sadd.s32 $0xFFFFFEF7, lr;
	s5 =	simm.s32 $0xFFFFFFFF;
	p2 =	slt.u32 s8, $0xFFFFF086  }
0x1c: {  	p1 =	slt.u32 s9, $0xF7A;
	s5 =	simm.s32 @!p2 $0x0  }
0x1d: {  	s5 =	simm.s32 @p1 $0x1;
	p0 =	seq.s32 s7, s2  }
0x1e: {  	s7 =	smul.u32 @!p0 $0xF7A, s2;
	p2 =	seq.s32 @!p0 s5, $0x0  }
0x1f: {  	s9 =	smul.u32 $0xF7A, s1;
	s8 =	simm.s32 @!p0 $0x1BF5;
	p2 =	por !p2, p0  }
0x20: {  	[sflag:s8] =	ssyncset.s32 @!p0 $0xFFFFF086;
	s6 =	sadd.s32 @!p0 s3, s7;
	s7 =	simm.s32 @!p0 $0x108  }
0x21: {  	s3 =	sadd.s32 s3, s9;
	s6 =	sadd.s32 @!p0 $0x88, s6;
	s7 =	simm.s32 @p2 $0x1082  }
0x22: {  	[simem:s7], [sflag:s8] =	dma.local @!p0 [hbm:s6], $0xF7A  }
0x23: {  	s9 =	sor.u32 $0xD0000000, s2;
	s6 =	simm.s32 $0x108;
	_ =	swait.ge @!p0 [sflag:s8], $0x0  }
0x24: {  	s3 =	sadd.s32 $0x88, s3;
	s6 =	simm.s32 @!p1 $0x1082;
	[sflag:s4] =	ssyncset.s32 $0xFFFFF086  }
0x25: {  	[simem:s6], [sflag:s4] =	dma.local [hbm:s3], $0xF7A  }
0x26: {  	[smem:$0x3F9D] =	sst s1;
	(tag) =	ssettag s2;
	_ =	strace s9  }
0x27: {  	s1 =	sld [smem:$0x3FAD]  }
0x28: {  	s2 =	sld [smem:$0x3FAE]  }
0x29: {  	s4 =	sld [smem:$0x3FB0]  }
0x2a: {  	p0 =	seq.s32 s5, $0x0;
	s5 =	sld [smem:$0x3FB1]  }
0x2b: {  	s6 =	sld [smem:$0x3FB2]  }
0x2c: {  	s7 =	sld [smem:$0x3FB3]  }
0x2d: {  	s3 =	simm.s32 $0x108;
	s8 =	sld [smem:$0x3FB4]  }
0x2e: {  	s3 =	simm.s32 @!p0 $0x1082;
	s9 =	sld [smem:$0x3FB5]  }
0x2f: {  	lr =	sadd.s32 s0, s3;
	s0 =	sld [smem:$0x3FAC]  }
0x30: {  	s3 =	sld [smem:$0x3FAF]  }
0x31: {  	[smem:$0x3FB8] =	sst s10  }
0x32: {  	s10 =	sld [smem:$0x3FB6];
	_ =	sdelay $0x3  }
0x33: {  	p0 =	seq.s32 s10, $0x1;
	s10 =	sld [smem:$0x3FB8];
	_ =	sdelay $0x3  }
0x34: {  	[smem:$0x3FB8] =	sst s10  }
0x35: {  	s10 =	sld [smem:$0x3FB7];
	_ =	sdelay $0x3  }
0x36: {  	p1 =	seq.s32 s10, $0x1;
	s10 =	sld [smem:$0x3FB8];
	_ =	sdelay $0x3  }
0x37: {  	[smem:$0x3FB8] =	sst s10  }
0x38: {  	s10 =	sld [smem:$0x3FB9]  }
0x39: {  	_ = 	snop;
	(pc) =	sbr.ind lr, $3  }
0x3a: {  	_ = 	snop  }
0x3b: {  	_ = 	snop  }
0x3c: {  	p2 =	seq.s32 s10, $0x1;
	s10 =	sld [smem:$0x3FB8]  }
0x3d: {  	_ =	shalt  }
0x3e: {  	_ =	shalt  }
0x3f: {  	_ =	shalt  }
0x40: {  	_ =	shalt  }
0x41: {  	_ =	shalt  }
0x42: {  	_ =	shalt  }
0x43: {  	_ =	shalt  }
0x44: {  	_ =	shalt  }
0x45: {  	_ =	shalt  }
0x46: {  	_ =	shalt  }
0x47: {  	_ =	shalt  }
0x48: {  	_ =	shalt  }
0x49: {  	_ =	shalt  }
0x4a: {  	_ =	shalt  }
0x4b: {  	_ =	shalt  }
0x4c: {  	_ =	shalt  }
0x4d: {  	_ =	shalt  }
0x4e: {  	_ =	shalt  }
0x4f: {  	_ =	shalt  }
0x50: {  	_ =	shalt  }
0x51: {  	_ =	shalt  }
0x52: {  	_ =	shalt  }
0x53: {  	_ =	shalt  }
0x54: {  	_ =	shalt  }
0x55: {  	_ =	shalt  }
0x56: {  	_ =	shalt  }
0x57: {  	_ =	shalt  }
0x58: {  	_ =	shalt  }
0x59: {  	_ =	shalt  }
0x5a: {  	_ =	shalt  }
0x5b: {  	_ =	shalt  }
0x5c: {  	_ =	shalt  }
0x5d: {  	_ =	shalt  }
0x5e: {  	_ =	shalt  }
0x5f: {  	_ =	shalt  }
0x60: {  	_ =	shalt  }
0x61: {  	_ =	shalt  }
0x62: {  	_ =	shalt  }
0x63: {  	_ =	shalt  }
0x64: {  	_ =	shalt  }
0x65: {  	_ =	shalt  }
0x66: {  	_ =	shalt  }
0x67: {  	_ =	shalt  }
0x68: {  	_ =	shalt  }
0x69: {  	_ =	shalt  }
0x6a: {  	_ =	shalt  }
0x6b: {  	_ =	shalt  }
0x6c: {  	_ =	shalt  }
0x6d: {  	_ =	shalt  }
0x6e: {  	_ =	shalt  }
0x6f: {  	_ =	shalt  }
0x70: {  	_ =	shalt  }
0x71: {  	_ =	shalt  }
0x72: {  	_ =	shalt  }
0x73: {  	_ =	shalt  }
0x74: {  	_ =	shalt  }
0x75: {  	_ =	shalt  }
0x76: {  	_ =	shalt  }
0x77: {  	_ =	shalt  }
0x78: {  	_ =	shalt  }
0x79: {  	_ =	shalt  }
0x7a: {  	_ =	shalt  }
0x7b: {  	_ =	shalt  }
0x7c: {  	_ =	shalt  }
0x7d: {  	_ =	shalt  }
0x7e: {  	_ =	shalt  }
0x7f: {  	_ =	shalt  }
0x80: {  	_ =	shalt  }
0x81: {  	_ =	shalt  }
0x82: {  	_ =	shalt  }
0x83: {  	_ =	shalt  }
0x84: {  	_ =	shalt  }
0x85: {  	_ =	shalt  }
0x86: {  	_ =	shalt  }
0x87: {  	_ =	shalt  }
.Lfunc_end0:
.L_simem_size_0:
called_computation_lowered:
.L_overlay_start_0:
0x88: {  	s2 =	sld [smem:$0x3FD9]  }
0x89: {  	s3 =	sld [smem:$0x3FFE];
	_ =	sdelay $0x1  }
0x8a: {  	s1 =	srdreg.scid  }
0x8b: {  	s0 =	sand.u32 $0x1, s1  }
0x8c: {  	s18 =	sshll.u32 s0, $0xA;
	s2 =	sadd.s32 s3, s2  }
0x8d: {  	s2 =	sadd.s32 s2, s18  }
0x8e: {  	[smem:$0x3FC4] =	sst s2  }
0x8f: {  	_ = 	snop  }
0x90: {  	s2 =	sld [smem:$0x3FC9]  }
0x91: {  	s19 =	sld [smem:$0x3FC8]  }
0x92: {  	s4 =	sld [smem:$0x3FC7]  }
0x93: {  	s5 =	sld [smem:$0x3FC6]  }
0x94: {  	s6 =	sld [smem:$0x3FD0];
	(tm) =	ssettm $0x1  }
0x95: {  	s7 =	sld [smem:$0x3FFB];
	_ =	sdelay $0x3  }
0x96: {  	_ =	strace s7  }
0x97: {  	s7 =	sld [smem:$0x3FFC];
	_ =	sdelay $0x3  }
0x98: {  	_ =	strace s7  }
0x99: {  	s7 =	sld [smem:$0x3FFD];
	_ =	sdelay $0x3  }
0x9a: {  	_ =	strace s7  }
0x9b: {  	_ =	strace $0x8FFFFFFF  }
0x9c: {  	s20 =	sld [smem:$0x3FDB];
	_ =	sdelay $0x1  }
0x9d: {  	s8 =	simm.s32 $_scs_section_size  }
0x9e: {  	s9 =	simm.s32 $_size__tile_overlayer_lowered;
	s10 =	simm.s32 $_tile_overlayer_lowered  }
0x9f: {  	s23 =	simm.s32 $0x1BFF;
	s22 =	sshll.u32 s10, $0x1;
	s7 =	sadd.s32 s8, s20  }
0xa0: {  	s11 =	simm.s32 $0x0;
	s21 =	sshll.u32 s9, $0x1;
	s9 =	sadd.s32 s22, s7  }
0xa1: {  	[timem:s11], [sflag:s23] =	dma.local [hbm:s9], s21  }
0xa2: {  	_ =	swait.ge [sflag:s23], s21  }
0xa3: {  	s8 =	ssub.s32 $0x0, s21;
	[sflag:s23] =	ssyncset.done $0x0  }
0xa4: {  	[sflag:s23] =	ssyncadd.s32 s8;
	_ =	sdelay $0x1  }
0xa5: {  	s24 =	simm.s32 $0x1B8B  }
0xa6: {  	_ =	swait.ge [sflag:s24], $0x1  }
0xa7: {  	[sflag:s24] =	ssyncset.done $0x0  }
0xa8: {  	s25 =	simm.s32 $0x1B8E;
	[sflag:s24] =	ssyncadd.s32 $0xFFFFFFFF  }
0xa9: {  	s26 =	simm.s32 $execute0_lowered;
	[smem:$0x3FD2] =	sst s25  }
0xaa: {  	s8 =	sshll.u32 s26, $0x1;
	_ =	strace $0x80000046;
	[dreg:$0x1] =	wrdreg $0xFFFFFFFF  }
0xab: {  	s28 =	simm.s32 $_size_execute0_lowered;
	s7 =	sadd.s32 s7, s8;
	[dreg:$0x0] =	wrdreg $0x0  }
0xac: {  	s8 =	sshll.u32 s28, $0x1;
	[dreg:$0x2] =	wrdreg s7  }
0xad: {  	[dreg:$0x3] =	wrdreg s8  }
0xae: {  	[dreg:$0x4] =	wrdreg $0xC0  }
0xaf: {  	_ =	task [dreg:s11], $0x5FFFF  }
0xb0: {  	[dreg:$0x1] =	wrdreg $0xFFFFFFFF  }
0xb1: {  	[dreg:$0x0] =	wrdreg $0x60  }
0xb2: {  	[dreg:$0x2] =	wrdreg s2  }
0xb3: {  	[dreg:$0x3] =	wrdreg s19  }
0xb4: {  	[dreg:$0x4] =	wrdreg s4  }
0xb5: {  	[dreg:$0x5] =	wrdreg s5  }
0xb6: {  	[dreg:$0x6] =	wrdreg s6  }
0xb7: {  	[dreg:$0x7] =	wrdreg $0x9  }
0xb8: {  	_ =	task.clear_ibuf [dreg:s11], $0x8FFFF;
	_ =	strace $0x90000046  }
0xb9: {  	s29 =	simm.s32 $0x9;
	_ =	strace $0x80000048  }
0xba: {  	_ =	swait.ge [sflag:s29], $0x1  }
0xbb: {  	[sflag:s29] =	ssyncadd.s32 $0xFFFFFFFF  }
0xbc: {  	_ =	strace $0x90000048  }
0xbd: {  	_ =	sfence  }
0xbe: {  	s30 =	sld [smem:$0x0];
	_ =	sdelay $0x2  }
0xbf: {  	s31 =	sshll.u32 s1, $0xD;
	s1 =	sshrl.u32 s1, $0x2  }
0xc0: {  	s3 =	sand.u32 $0x4000, s31;
	s1 =	sadd.s32 s1, s30  }
0xc1: {  	s0 =	sor.u32 s3, s0;
	s1 =	sshll.u32 s1, $0x11  }
0xc2: {  	s0 =	sor.u32 s1, s0  }
0xc3: {  	s0 =	sadd.s32 $0x8F2B, s0  }
0xc4: {  	[sflag:s0] =	ssyncadd.remote.s32 $0x1  }
0xc5: {  	_ =	sfence.sel $0xFFFF  }
0xc6: {  	[dreg:$0x0] =	wrdreg $0xFFFFFFFF;
	(pc) =	sbr.abs _section_cstart, $3  }
0xc7: {  	[dreg:$0x1] =	wrdreg $0xFFFFFFFF  }
0xc8: {  	_ =	task.clear_ibuf [dreg:s11], $0x2FFFF;
	_ =	strace $0x9FFFFFFF  }
0xc9: {  	(tm) =	ssettm $0x7FFFFFFF  }
tec
execute0_lowered:
.L_overlay_start_1:
0x0: {  	(tag) =	ssettag $0x1  }
0x1: {  	s1 =	rddreg [dreg:$0x0]  }
0x2: {  	s2 =	rddreg [dreg:$0x1]  }
0x3: {  	s3 =	rddreg [dreg:$0x2]  }
0x4: {  	s0 =	srdreg.scid;
	s5 =	rddreg [dreg:$0x3]  }
0x5: {  	s4 =	stileid.u32;
	s6 =	rddreg [dreg:$0x4]  }
0x6: {  	s7 =	simm.s32 $0x0;
	s17 =	simm.s32 $0x100;
	s18 =	simm.s32 $0x1  }
0x7: {  	s19 =	simm.s32 $0x80;
	s20 =	simm.s32 $0x200;
	s22 =	simm.s32 $0x180  }
0x8: {  	s23 =	simm.s32 $0x2;
	s24 =	simm.s32 $0x4200;
	s28 =	simm.s32 $0x5  }
0x9: {  	s29 =	simm.s32 $0x6;
	s0 =	sand.u32 $0x1, s0;
	s4 =	sshll.u32 s4, $0x1  }
0xa: {  	s30 =	simm.s32 $0x0;
	s4 =	sor.u32 s0, s4;
	s0 =	ssub.s32 $0x2, s0  }
0xb: {  	[smem:$0x7FF] =	sst s7;
	s8 =	smul.u32 $0x6400, s4;
	s9 =	sshrl.u32 s0, $0x1  }
0xc: {  	_ =	strace $0x80000047;
	s11 =	smul.u32 $0x320000, s4;
	s0 =	ssub.s32 s0, s9  }
0xd: {  	s10 =	sshrl.u32 s8, $0x3;
	s13 =	sor.u32 $0x100, s8;
	s14 =	sor.u32 $0x180, s8  }
0xe: {  	s15 =	sor.u32 $0x4000, s11;
	s16 =	smax.u32 s0, $0x1;
	s25 =	sadd.s32 s1, s10  }
0xf: {  	s26 =	sor.u32 $0x10, s10;
	s10 =	sadd.s32 s2, s10;
	[dreg:$0x6] =	wrdreg s25  }
0x10: {  	[dreg:$0x7] =	wrdreg s10;
	s31 =	sadd.s32 s1, s26;
	s12 =	sadd.s32 s2, s26  }
0x11: {  	s25 =	simm.s32 $0xC200;
	s26 =	simm.s32 $0x3;
	[dreg:$0x8] =	wrdreg s31  }
.LBB2_1:
0x12: {  	s0 =	rddreg [dreg:$0x6]  }
0x13: {  	[tilespmem:s7], [sflag:$0x1] =	stream.linear.gather [hbm4b:s0+s7], $0x80, $0x38;
	[tilespmem:$0x10200] =	vst v63  }
0x14: {  	s9 =	rddreg [dreg:$0x7]  }
0x15: {  	[tilespmem:s17], [sflag:$0x1] =	stream.linear.gather [hbm4b:s9+s7], $0x80, $0x38;
	[tilespmem:$0x10200] =	vst v63  }
0x16: {  	_ =	swait.ge [sflag:s18], $0x80  }
0x17: {  	[sflag:s18] =	ssyncset.done $0x0  }
0x18: {  	[sflag:s18] =	ssyncadd.s32 $0xFFFFFF80  }
0x19: {  	_ =	swait.ge [sflag:s18], $0x80  }
0x1a: {  	[sflag:s18] =	ssyncset.done $0x0  }
0x1b: {  	[sflag:s18] =	ssyncadd.s32 $0xFFFFFF80  }
0x1c: {  	[tilespmem:s20], [sflag:$0x3] =	stream.indirect.gather [hbm4b:s3+s19], $0x80, s7, s19, $0xb8;
	[tilespmem:$0x10200] =	vst v63  }
0x1d: {  	s10 =	simm.s32 $0x8200  }
0x1e: {  	[tilespmem:s10], [sflag:$0x3] =	stream.indirect.gather [hbm4b:s5+s19], $0x80, s17, s19, $0xb8;
	[tilespmem:$0x10200] =	vst v63  }
0x1f: {  	s21 =	rddreg [dreg:$0x8]  }
0x20: {  	[tilespmem:s19], [sflag:$0x2] =	stream.linear.gather [hbm4b:s21+s7], $0x80, $0x38;
	[tilespmem:$0x10200] =	vst v63  }
0x21: {  	s31 =	simm.s32 $0x0  }
0x22: {  	[tilespmem:s22], [sflag:$0x2] =	stream.linear.gather [hbm4b:s12+s7], $0x80, $0x38;
	[tilespmem:$0x10200] =	vst v63  }
.LBB2_2:
0x23: {  	_ =	swait.ge [sflag:s23], $0x80  }
0x24: {  	[sflag:s23] =	ssyncset.done $0x0  }
0x25: {  	[sflag:s23] =	ssyncadd.s32 $0xFFFFFF80  }
0x26: {  	_ =	swait.ge [sflag:s23], $0x80  }
0x27: {  	p0 =	seq.s32 s31, $0x0;
	[sflag:s23] =	ssyncset.done $0x0  }
0x28: {  	s0 =	simm.s32 @!p0 $0x6;
	[sflag:s23] =	ssyncadd.s32 $0xFFFFFF80  }
0x29: {  	_ =	swait.ge @!p0 [sflag:s0], $0x4000  }
0x2a: {  	[sflag:s0] =	ssyncset.done @!p0 $0x0  }
0x2b: {  	[sflag:s0] =	ssyncadd.s32 @!p0 $0xFFFFC000  }
0x2c: {  	[tilespmem:s24], [sflag:$0x4] =	stream.indirect.gather [hbm4b:s3+s19], $0x80, s19, s19, $0xb8;
	[tilespmem:$0x10200] =	vst v63  }
0x2d: {  	_ = 	snop  }
0x2e: {  	[tilespmem:s25], [sflag:$0x4] =	stream.indirect.gather [hbm4b:s5+s19], $0x80, s22, s19, $0xb8;
	[tilespmem:$0x10200] =	vst v63  }
0x2f: {  	_ =	swait.ge [sflag:s26], $0x4000  }
0x30: {  	p0 =	seq.s32 s31, $0x63;
	[sflag:s26] =	ssyncset.done $0x0  }
0x31: {  	s0 =	sshll.u32 @!p0 s31, $0x8;
	[sflag:s26] =	ssyncadd.s32 $0xFFFFC000  }
0x32: {  	s4 =	sadd.s32 @!p0 s0, s13;
	_ =	swait.ge [sflag:s26], $0x4000  }
0x33: {  	s4 =	sshrl.u32 @!p0 s4, $0x3;
	[sflag:s26] =	ssyncset.done $0x0  }
0x34: {  	s9 =	simm.s32 @!p0 $0x0;
	s8 =	sadd.s32 @!p0 s1, s4;
	[sflag:s26] =	ssyncadd.s32 $0xFFFFC000  }
0x35: {  	[tilespmem:s9], [sflag:$0x1] =	stream.linear.gather @!p0 [hbm4b:s8+s9], $0x80, $0x38;
	[tilespmem:$0x10200] =	vst v63  }
0x36: {  	s21 =	simm.s32 $0x0;
	s4 =	sadd.s32 @!p0 s2, s4;
	s8 =	simm.s32 @!p0 $0x100  }
0x37: {  	[tilespmem:s8], [sflag:$0x1] =	stream.linear.gather @!p0 [hbm4b:s4+s9], $0x80, $0x38;
	[tilespmem:$0x10200] =	vst v63  }
0x38: {  	v0 =	vld [tilespmem:s21+$0x83B0]  }
0x39: {  	v1 =	vld [tilespmem:s21+$0x8200]  }
0x3a: {  	v2 =	vld [tilespmem:s21+$0x8210]  }
0x3b: {  	v3 =	vld [tilespmem:s21+$0x8220]  }
0x3c: {  	v4 =	vld [tilespmem:s21+$0x8230]  }
0x3d: {  	v5 =	vld [tilespmem:s21+$0x8280]  }
0x3e: {  	v6 =	vld [tilespmem:s21+$0x8290]  }
0x3f: {  	v7 =	vld [tilespmem:s21+$0x82A0]  }
0x40: {  	v8 =	vld [tilespmem:s21+$0x82B0]  }
0x41: {  	v9 =	vld [tilespmem:s21+$0x8300]  }
0x42: {  	v10 =	vld [tilespmem:s21+$0x8310]  }
0x43: {  	v11 =	vld [tilespmem:s21+$0x8320]  }
0x44: {  	v12 =	vld [tilespmem:s21+$0x8330]  }
0x45: {  	v13 =	vld [tilespmem:s21+$0x8380]  }
0x46: {  	v14 =	vld [tilespmem:s21+$0x8390]  }
0x47: {  	[tilespmem:s21+$0x3B0] =	vst.add.f32.msk $0xffff, v0  }
0x48: {  	v0 =	vld [tilespmem:s21+$0x83A0]  }
0x49: {  	[tilespmem:s21+$0x200] =	vst.add.f32.msk $0xffff, v1  }
0x4a: {  	[tilespmem:s21+$0x210] =	vst.add.f32.msk $0xffff, v2  }
0x4b: {  	[tilespmem:s21+$0x220] =	vst.add.f32.msk $0xffff, v3  }
0x4c: {  	[tilespmem:s21+$0x230] =	vst.add.f32.msk $0xffff, v4  }
0x4d: {  	[tilespmem:s21+$0x280] =	vst.add.f32.msk $0xffff, v5  }
0x4e: {  	[tilespmem:s21+$0x290] =	vst.add.f32.msk $0xffff, v6  }
0x4f: {  	[tilespmem:s21+$0x2A0] =	vst.add.f32.msk $0xffff, v7  }
0x50: {  	[tilespmem:s21+$0x2B0] =	vst.add.f32.msk $0xffff, v8  }
0x51: {  	[tilespmem:s21+$0x300] =	vst.add.f32.msk $0xffff, v9  }
0x52: {  	[tilespmem:s21+$0x310] =	vst.add.f32.msk $0xffff, v10  }
0x53: {  	[tilespmem:s21+$0x320] =	vst.add.f32.msk $0xffff, v11  }
0x54: {  	[tilespmem:s21+$0x330] =	vst.add.f32.msk $0xffff, v12  }
0x55: {  	[tilespmem:s21+$0x380] =	vst.add.f32.msk $0xffff, v13  }
0x56: {  	s4 =	sshll.u32 s31, $0xF;
	s8 =	simm.s32 $0x0;
	s9 =	simm.s32 $0x800;
	[tilespmem:s21+$0x390] =	vst.add.f32.msk $0xffff, v14  }
.LBB2_3:
0x57: {  	s8 =	sadd.s32 $0x4, s8;
	[tilespmem:s21+$0x3A0] =	vst.add.f32.msk $0xffff, v0;
	s21 =	sshra.s32 s9, $0x2  }
0x58: {  	v0 =	vld [tilespmem:s21+$0x83B0];
	p1 =	slt.u32 s8, $0x7C  }
0x59: {  	v1 =	vld [tilespmem:s21+$0x8200]  }
0x5a: {  	v2 =	vld [tilespmem:s21+$0x8210]  }
0x5b: {  	v3 =	vld [tilespmem:s21+$0x8220]  }
0x5c: {  	v4 =	vld [tilespmem:s21+$0x8230]  }
0x5d: {  	[tilespmem:s21+$0x3B0] =	vst.add.f32.msk $0xffff, v0  }
0x5e: {  	v5 =	vld [tilespmem:s21+$0x8280]  }
0x5f: {  	v6 =	vld [tilespmem:s21+$0x8290]  }
0x60: {  	v7 =	vld [tilespmem:s21+$0x82A0]  }
0x61: {  	v8 =	vld [tilespmem:s21+$0x82B0]  }
0x62: {  	v9 =	vld [tilespmem:s21+$0x8300]  }
0x63: {  	v10 =	vld [tilespmem:s21+$0x8310]  }
0x64: {  	v11 =	vld [tilespmem:s21+$0x8320]  }
0x65: {  	v12 =	vld [tilespmem:s21+$0x8330]  }
0x66: {  	v13 =	vld [tilespmem:s21+$0x8380]  }
0x67: {  	v14 =	vld [tilespmem:s21+$0x8390]  }
0x68: {  	v0 =	vld [tilespmem:s21+$0x83A0]  }
0x69: {  	[tilespmem:s21+$0x200] =	vst.add.f32.msk $0xffff, v1  }
0x6a: {  	[tilespmem:s21+$0x210] =	vst.add.f32.msk $0xffff, v2  }
0x6b: {  	[tilespmem:s21+$0x220] =	vst.add.f32.msk $0xffff, v3  }
0x6c: {  	[tilespmem:s21+$0x230] =	vst.add.f32.msk $0xffff, v4  }
0x6d: {  	[tilespmem:s21+$0x280] =	vst.add.f32.msk $0xffff, v5  }
0x6e: {  	[tilespmem:s21+$0x290] =	vst.add.f32.msk $0xffff, v6  }
0x6f: {  	[tilespmem:s21+$0x2A0] =	vst.add.f32.msk $0xffff, v7  }
0x70: {  	[tilespmem:s21+$0x2B0] =	vst.add.f32.msk $0xffff, v8  }
0x71: {  	[tilespmem:s21+$0x300] =	vst.add.f32.msk $0xffff, v9  }
.Ltmp0:
0x72: {  	[tilespmem:s21+$0x310] =	vst.add.f32.msk $0xffff, v10;
	(pc) =	sbr.rel @p1 .LBB2_3-.Ltmp0, $4  }
0x73: {  	[tilespmem:s21+$0x320] =	vst.add.f32.msk $0xffff, v11  }
0x74: {  	[tilespmem:s21+$0x330] =	vst.add.f32.msk $0xffff, v12  }
0x75: {  	[tilespmem:s21+$0x380] =	vst.add.f32.msk $0xffff, v13  }
0x76: {  	s9 =	sadd.s32 $0x800, s9;
	[tilespmem:s21+$0x390] =	vst.add.f32.msk $0xffff, v14  }
0x77: {  	s8 =	sadd.s32 s11, s4  }
0x78: {  	s8 =	sshrl.u32 s8, $0x3  }
0x79: {  	[tilespmem:s21+$0x3A0] =	vst.add.f32.msk $0xffff, v0;
	s8 =	sadd.s32 s6, s8  }
0x7a: {  	[hbm4b:s8+s7] =	stream.linear.scatter [tilespmem:s20], [sflag:$0x5], $0x4000, $0x38;
	[tilespmem:$0x10200] =	vst v63  }
0x7b: {  	s8 =	simm.s32 @p0 $0x4  }
0x7c: {  	_ =	swait.ge @p0 [sflag:s8], $0x4000  }
0x7d: {  	[sflag:s8] =	ssyncset.done @p0 $0x0  }
0x7e: {  	[sflag:s8] =	ssyncadd.s32 @p0 $0xFFFFC000  }
0x7f: {  	_ =	swait.ge @p0 [sflag:s8], $0x4000  }
0x80: {  	[sflag:s8] =	ssyncset.done @p0 $0x0  }
0x81: {  	[sflag:s8] =	ssyncadd.s32 @p0 $0xFFFFC000;
	s8 =	simm.s32 @!p0 $0x1  }
0x82: {  	_ =	swait.ge @!p0 [sflag:s8], $0x80  }
0x83: {  	[sflag:s8] =	ssyncset.done @!p0 $0x0  }
0x84: {  	[sflag:s8] =	ssyncadd.s32 @!p0 $0xFFFFFF80  }
0x85: {  	_ =	swait.ge @!p0 [sflag:s8], $0x80  }
0x86: {  	[sflag:s8] =	ssyncset.done @!p0 $0x0  }
0x87: {  	[sflag:s8] =	ssyncadd.s32 @!p0 $0xFFFFFF80;
	s8 =	simm.s32 @!p0 $0x5  }
0x88: {  	_ =	swait.ge @!p0 [sflag:s8], $0x4000  }
0x89: {  	s9 =	simm.s32 @!p0 $0x0;
	[sflag:s8] =	ssyncset.done @!p0 $0x0  }
0x8a: {  	s21 =	simm.s32 @!p0 $0x200;
	[sflag:s8] =	ssyncadd.s32 @!p0 $0xFFFFC000;
	s8 =	simm.s32 @!p0 $0x80  }
0x8b: {  	[tilespmem:s21], [sflag:$0x3] =	stream.indirect.gather @!p0 [hbm4b:s3+s8], $0x80, s9, s8, $0xb8;
	[tilespmem:$0x10200] =	vst v63  }
0x8c: {  	s10 =	simm.s32 @!p0 $0x8200;
	s21 =	simm.s32 @!p0 $0x100  }
0x8d: {  	[tilespmem:s10], [sflag:$0x3] =	stream.indirect.gather @!p0 [hbm4b:s5+s8], $0x80, s21, s8, $0xb8;
	[tilespmem:$0x10200] =	vst v63  }
0x8e: {  	s10 =	simm.s32 @!p0 $0x4  }
0x8f: {  	_ =	swait.ge @!p0 [sflag:s10], $0x4000  }
0x90: {  	[sflag:s10] =	ssyncset.done @!p0 $0x0  }
0x91: {  	[sflag:s10] =	ssyncadd.s32 @!p0 $0xFFFFC000  }
0x92: {  	s0 =	sadd.s32 @!p0 s0, s14;
	_ =	swait.ge @!p0 [sflag:s10], $0x4000  }
0x93: {  	s0 =	sshrl.u32 @!p0 s0, $0x3;
	[sflag:s10] =	ssyncset.done @!p0 $0x0  }
0x94: {  	[sflag:s10] =	ssyncadd.s32 @!p0 $0xFFFFC000;
	s10 =	sadd.s32 @!p0 s1, s0  }
0x95: {  	[tilespmem:s8], [sflag:$0x2] =	stream.linear.gather @!p0 [hbm4b:s10+s9], $0x80, $0x38;
	[tilespmem:$0x10200] =	vst v63  }
0x96: {  	s0 =	sadd.s32 @!p0 s2, s0;
	s8 =	simm.s32 @!p0 $0x180  }
0x97: {  	[tilespmem:s8], [sflag:$0x2] =	stream.linear.gather @!p0 [hbm4b:s0+s9], $0x80, $0x38;
	[tilespmem:$0x10200] =	vst v63  }
0x98: {  	s0 =	simm.s32 $0x0  }
0x99: {  	v0 =	vld [tilespmem:s0+$0xC3B0]  }
0x9a: {  	v1 =	vld [tilespmem:s0+$0xC200]  }
0x9b: {  	v2 =	vld [tilespmem:s0+$0xC210]  }
0x9c: {  	v3 =	vld [tilespmem:s0+$0xC220]  }
0x9d: {  	v4 =	vld [tilespmem:s0+$0xC230]  }
0x9e: {  	v5 =	vld [tilespmem:s0+$0xC280]  }
0x9f: {  	v6 =	vld [tilespmem:s0+$0xC290]  }
0xa0: {  	v7 =	vld [tilespmem:s0+$0xC2A0]  }
0xa1: {  	v8 =	vld [tilespmem:s0+$0xC2B0]  }
0xa2: {  	v9 =	vld [tilespmem:s0+$0xC300]  }
0xa3: {  	v10 =	vld [tilespmem:s0+$0xC310]  }
0xa4: {  	v11 =	vld [tilespmem:s0+$0xC320]  }
0xa5: {  	v12 =	vld [tilespmem:s0+$0xC330]  }
0xa6: {  	v13 =	vld [tilespmem:s0+$0xC380]  }
0xa7: {  	v14 =	vld [tilespmem:s0+$0xC390]  }
0xa8: {  	[tilespmem:s0+$0x43B0] =	vst.add.f32.msk $0xffff, v0  }
0xa9: {  	v0 =	vld [tilespmem:s0+$0xC3A0]  }
0xaa: {  	[tilespmem:s0+$0x4200] =	vst.add.f32.msk $0xffff, v1  }
0xab: {  	[tilespmem:s0+$0x4210] =	vst.add.f32.msk $0xffff, v2  }
0xac: {  	[tilespmem:s0+$0x4220] =	vst.add.f32.msk $0xffff, v3  }
0xad: {  	[tilespmem:s0+$0x4230] =	vst.add.f32.msk $0xffff, v4  }
0xae: {  	[tilespmem:s0+$0x4280] =	vst.add.f32.msk $0xffff, v5  }
0xaf: {  	[tilespmem:s0+$0x4290] =	vst.add.f32.msk $0xffff, v6  }
0xb0: {  	[tilespmem:s0+$0x42A0] =	vst.add.f32.msk $0xffff, v7  }
0xb1: {  	[tilespmem:s0+$0x42B0] =	vst.add.f32.msk $0xffff, v8  }
0xb2: {  	[tilespmem:s0+$0x4300] =	vst.add.f32.msk $0xffff, v9  }
0xb3: {  	[tilespmem:s0+$0x4310] =	vst.add.f32.msk $0xffff, v10  }
0xb4: {  	[tilespmem:s0+$0x4320] =	vst.add.f32.msk $0xffff, v11  }
0xb5: {  	[tilespmem:s0+$0x4330] =	vst.add.f32.msk $0xffff, v12  }
0xb6: {  	[tilespmem:s0+$0x4380] =	vst.add.f32.msk $0xffff, v13  }
0xb7: {  	s8 =	simm.s32 $0x0;
	s9 =	simm.s32 $0x800;
	[tilespmem:s0+$0x4390] =	vst.add.f32.msk $0xffff, v14  }
.LBB2_5:
0xb8: {  	s8 =	sadd.s32 $0x4, s8;
	[tilespmem:s0+$0x43A0] =	vst.add.f32.msk $0xffff, v0;
	s0 =	sshra.s32 s9, $0x2  }
0xb9: {  	v0 =	vld [tilespmem:s0+$0xC3B0];
	p0 =	slt.u32 s8, $0x7C  }
0xba: {  	v1 =	vld [tilespmem:s0+$0xC200]  }
0xbb: {  	v2 =	vld [tilespmem:s0+$0xC210]  }
0xbc: {  	v3 =	vld [tilespmem:s0+$0xC220]  }
0xbd: {  	v4 =	vld [tilespmem:s0+$0xC230]  }
0xbe: {  	[tilespmem:s0+$0x43B0] =	vst.add.f32.msk $0xffff, v0  }
0xbf: {  	v5 =	vld [tilespmem:s0+$0xC280]  }
0xc0: {  	v6 =	vld [tilespmem:s0+$0xC290]  }
0xc1: {  	v7 =	vld [tilespmem:s0+$0xC2A0]  }
0xc2: {  	v8 =	vld [tilespmem:s0+$0xC2B0]  }
0xc3: {  	v9 =	vld [tilespmem:s0+$0xC300]  }
0xc4: {  	v10 =	vld [tilespmem:s0+$0xC310]  }
0xc5: {  	v11 =	vld [tilespmem:s0+$0xC320]  }
0xc6: {  	v12 =	vld [tilespmem:s0+$0xC330]  }
0xc7: {  	v13 =	vld [tilespmem:s0+$0xC380]  }
0xc8: {  	v14 =	vld [tilespmem:s0+$0xC390]  }
0xc9: {  	v0 =	vld [tilespmem:s0+$0xC3A0]  }
0xca: {  	[tilespmem:s0+$0x4200] =	vst.add.f32.msk $0xffff, v1  }
0xcb: {  	[tilespmem:s0+$0x4210] =	vst.add.f32.msk $0xffff, v2  }
0xcc: {  	[tilespmem:s0+$0x4220] =	vst.add.f32.msk $0xffff, v3  }
0xcd: {  	[tilespmem:s0+$0x4230] =	vst.add.f32.msk $0xffff, v4  }
0xce: {  	[tilespmem:s0+$0x4280] =	vst.add.f32.msk $0xffff, v5  }
0xcf: {  	[tilespmem:s0+$0x4290] =	vst.add.f32.msk $0xffff, v6  }
0xd0: {  	[tilespmem:s0+$0x42A0] =	vst.add.f32.msk $0xffff, v7  }
0xd1: {  	[tilespmem:s0+$0x42B0] =	vst.add.f32.msk $0xffff, v8  }
0xd2: {  	[tilespmem:s0+$0x4300] =	vst.add.f32.msk $0xffff, v9  }
.Ltmp1:
0xd3: {  	[tilespmem:s0+$0x4310] =	vst.add.f32.msk $0xffff, v10;
	(pc) =	sbr.rel @p0 .LBB2_5-.Ltmp1, $4  }
0xd4: {  	[tilespmem:s0+$0x4320] =	vst.add.f32.msk $0xffff, v11  }
0xd5: {  	[tilespmem:s0+$0x4330] =	vst.add.f32.msk $0xffff, v12  }
0xd6: {  	[tilespmem:s0+$0x4380] =	vst.add.f32.msk $0xffff, v13  }
0xd7: {  	s9 =	sadd.s32 $0x800, s9;
	[tilespmem:s0+$0x4390] =	vst.add.f32.msk $0xffff, v14  }
0xd8: {  	s31 =	sadd.s32 $0x1, s31  }
0xd9: {  	p0 =	sne.s32 s31, $0x64  }
.Ltmp2:
0xda: {  	_ = 	snop;
	(pc) =	sbr.rel @p0 .LBB2_2-.Ltmp2, $4  }
0xdb: {  	s4 =	sadd.s32 s4, s15  }
0xdc: {  	s4 =	sshrl.u32 s4, $0x3  }
0xdd: {  	[tilespmem:s0+$0x43A0] =	vst.add.f32.msk $0xffff, v0;
	s21 =	sadd.s32 s6, s4  }
0xde: {  	[hbm4b:s21+s7] =	stream.linear.scatter [tilespmem:s24], [sflag:$0x6], $0x4000, $0x38;
	[tilespmem:$0x10200] =	vst v63  }
0xdf: {  	s30 =	sadd.s32 $0x1, s30  }
0xe0: {  	_ =	swait.ge [sflag:s28], $0x4000;
	p0 =	sne.s32 s30, s16  }
.Ltmp3:
0xe1: {  	[sflag:s28] =	ssyncset.done $0x0;
	(pc) =	sbr.rel @p0 .LBB2_1-.Ltmp3, $4  }
0xe2: {  	[sflag:s28] =	ssyncadd.s32 $0xFFFFC000  }
0xe3: {  	_ =	swait.ge [sflag:s29], $0x4000  }
0xe4: {  	[sflag:s29] =	ssyncset.done $0x0  }
0xe5: {  	[sflag:s29] =	ssyncadd.s32 $0xFFFFC000  }
0xe6: {  	_ =	sfence.sel $0x180000  }
0xe7: {  	[bflag:$0x0] =	sbarrier.arrive $0xFFFF  }
0xe8: {  	_ =	strace $0x90000047  }
0xe9: {  	s0 =	stileid.u32;
	[bflag:$0x2] =	sbarrier.arrive $0xFFFF  }
0xea: {  	p0 =	sne.s32 s0, $0x0;
	s0 =	rddreg [dreg:$0x5]  }
0xeb: {  	s0 =	sadd.s32 @!p0 $0x100000, s0  }
0xec: {  	[sflag:s0] =	ssyncadd.tile.s32 @!p0 $0x1;
	_ =	shalt  }
.Lfunc_end2:
_tile_overlayer_lowered:
.L_overlay_start_2:
0xed: {  	(tag) =	ssettag $0x2  }
0xee: {  	s0 =	rddreg [dreg:$0x0];
	s2 =	stileid.u32  }
0xef: {  	s1 =	rddreg [dreg:$0x1];
	p0 =	sne.s32 s2, $0x0  }
0xf0: {  	s3 =	rddreg [dreg:$0x2];
	[bflag:$0x3] =	sbarrier.arrive $0xFFFF;
	s2 =	simm.s32 @!p0 $0x1C07  }
0xf1: {  	[timem:s3], [sflag:s2] =	dma.local @!p0 [hbm:s0], s1  }
0xf2: {  	s0 =	simm.s32 @!p0 $0x7  }
0xf3: {  	_ =	swait.ge @!p0 [sflag:s0], s1  }
0xf4: {  	s1 =	ssub.s32 @!p0 $0x0, s1;
	[sflag:s0] =	ssyncset.done @!p0 $0x0  }
0xf5: {  	[sflag:s0] =	ssyncadd.s32 @!p0 s1  }
0xf6: {  	[bflag:$0x3] =	sbarrier.arrive $0xFFFF  }
0xf7: {  	_ =	shalt  }

</sc_bundles>
